<compile_context>
chip_gen: v7x
topology: tpu7x:2x2x1
jax: 0.10.2.dev20260603
libtpu: 0.0.44.dev20260713+nightly
codegen_flags: <defaults>
</compile_context>

<pallas_src>
import dataclasses
import functools

import jax
import jax.numpy as jnp
from jax.experimental import pallas as pl
from jax.experimental.pallas import tpu as pltpu
from jax.experimental.pallas import tpu_sc as plsc

VOL = (256, 256, 256)
K = 256

ROWS = 65536
COLS = 256

SC_BLK_R = 64
SC_GRID = ROWS // SC_BLK_R
LANES = 16
NWORK = 32

_HIMASK = -65536


def _sc_mesh_and_params():
    mesh = plsc.VectorSubcoreMesh(core_axis_name="c", subcore_axis_name="s")
    cp = pltpu.CompilerParams(use_tc_tiling_on_sc=True)
    if "needs_layout_passes" in pltpu.CompilerParams.__dataclass_fields__:
        cp = dataclasses.replace(cp, needs_layout_passes=False)
    return mesh, cp


def _gather_intensity(tab_ref, lab_ref, noi_ref, r, c):
    idx = lab_ref[r, pl.ds(c, LANES)]
    w = plsc.load_gather(tab_ref, [idx])
    m = jax.lax.bitcast_convert_type(w & jnp.int32(_HIMASK), jnp.float32)
    s = jax.lax.bitcast_convert_type(w << 16, jnp.float32)
    return m + s * noi_ref[r, pl.ds(c, LANES)]




def _minmax_pipeline_body(tab_ref, acc_ref, lab_ref, noi_ref):
    inf = jnp.float32(jnp.inf)
    carry0 = (jnp.full((LANES,), inf, jnp.float32),
              jnp.full((LANES,), -inf, jnp.float32))

    @plsc.parallel_loop(0, SC_BLK_R * (COLS // LANES), step=1, unroll=16,
                        carry=carry0)
    def loop(i, carry):
        mn, mx = carry
        r = i >> 4
        c = (i & 15) * LANES
        x = _gather_intensity(tab_ref, lab_ref, noi_ref, r, c)
        mn = jnp.minimum(mn, x)
        mx = jnp.maximum(mx, jnp.where(x == inf, -inf, x))
        return mn, mx

    mn, mx = loop
    acc_ref[pl.ds(0, LANES)] = jnp.minimum(acc_ref[pl.ds(0, LANES)], mn)
    acc_ref[pl.ds(LANES, LANES)] = jnp.maximum(acc_ref[pl.ds(LANES, LANES)], mx)


def _sc_minmax(table, labels2d, noise2d):
    mesh, cp = _sc_mesh_and_params()

    @functools.partial(
        pl.kernel,
        out_type=jax.ShapeDtypeStruct((NWORK, 128), jnp.float32),
        mesh=mesh,
        compiler_params=cp,
        scratch_types=[
            pltpu.VMEM((K,), jnp.int32),
            pltpu.VMEM((128,), jnp.float32),
        ],
    )
    def sc_kernel(tab_hbm, lab_hbm, noi_hbm, part_hbm, tab_v, acc_v):
        pltpu.sync_copy(tab_hbm, tab_v)
        inf = jnp.float32(jnp.inf)
        for j in range(0, 128, LANES):
            acc_v[pl.ds(j, LANES)] = jnp.full((LANES,), inf, jnp.float32)
        acc_v[pl.ds(LANES, LANES)] = jnp.full((LANES,), -inf, jnp.float32)
        pltpu.emit_pipeline(
            functools.partial(_minmax_pipeline_body, tab_v, acc_v),
            grid=(SC_GRID,),
            in_specs=[
                pl.BlockSpec((SC_BLK_R, COLS), lambda i: (i, 0)),
                pl.BlockSpec((SC_BLK_R, COLS), lambda i: (i, 0)),
            ],
            out_specs=[],
            core_axis_name=("c", "s"),
            dimension_semantics=(pltpu.PARALLEL,),
        )(lab_hbm, noi_hbm)
        wid = jax.lax.axis_index("s") * 2 + jax.lax.axis_index("c")
        pltpu.sync_copy(acc_v, part_hbm.at[wid])

    return sc_kernel(table, labels2d, noise2d)




def _table_body(p_ref, me_ref, st_ref, tab_ref):
    p = p_ref[...]
    col = jax.lax.broadcasted_iota(jnp.int32, p.shape, 1)
    mn = jnp.min(jnp.where(col < LANES, p, jnp.inf))
    mx = jnp.max(jnp.where((col >= LANES) & (col < 2 * LANES), p, -jnp.inf))
    scale = 0.4 / (mx - mn)
    off = jnp.float32(0.1) - mn * scale

    me = me_ref[...]
    st = st_ref[...]
    mp = me * scale + off
    sp = st * scale
    row = jax.lax.broadcasted_iota(jnp.int32, me.shape, 0)
    colt = jax.lax.broadcasted_iota(jnp.int32, me.shape, 1)
    is0 = (row == 0) & (colt == 0)
    mp = jnp.where(is0, jnp.float32(0.0), mp)
    sp = jnp.where(is0, jnp.float32(0.0), sp)
    mb = jax.lax.bitcast_convert_type(
        mp.astype(jnp.bfloat16), jnp.uint16
    ).astype(jnp.uint32)
    sb = jax.lax.bitcast_convert_type(
        sp.astype(jnp.bfloat16), jnp.uint16
    ).astype(jnp.uint32)
    tab_ref[...] = jax.lax.bitcast_convert_type((mb << 16) | sb, jnp.int32)


def _tc_build_table(partials, means, stds):
    return pl.pallas_call(
        _table_body,
        out_shape=jax.ShapeDtypeStruct((2, 128), jnp.int32),
    )(partials, means.reshape(2, 128), stds.reshape(2, 128))




def _out_pipeline_body(tab_ref, lab_ref, noi_ref, out_ref):
    @plsc.parallel_loop(0, SC_BLK_R * (COLS // LANES), step=1, unroll=16)
    def _(i):
        r = i >> 4
        c = (i & 15) * LANES
        out_ref[r, pl.ds(c, LANES)] = _gather_intensity(
            tab_ref, lab_ref, noi_ref, r, c
        )


def _sc_apply(table2, labels2d, noise2d):
    mesh, cp = _sc_mesh_and_params()

    @functools.partial(
        pl.kernel,
        out_type=jax.ShapeDtypeStruct((ROWS, COLS), jnp.float32),
        mesh=mesh,
        compiler_params=cp,
        scratch_types=[pltpu.VMEM((K,), jnp.int32)],
    )
    def sc_kernel(tab_hbm, lab_hbm, noi_hbm, out_hbm, tab_v):
        pltpu.sync_copy(tab_hbm, tab_v)
        pltpu.emit_pipeline(
            functools.partial(_out_pipeline_body, tab_v),
            grid=(SC_GRID,),
            in_specs=[
                pl.BlockSpec((SC_BLK_R, COLS), lambda i: (i, 0)),
                pl.BlockSpec((SC_BLK_R, COLS), lambda i: (i, 0)),
            ],
            out_specs=[pl.BlockSpec((SC_BLK_R, COLS), lambda i: (i, 0))],
            core_axis_name=("c", "s"),
            dimension_semantics=(pltpu.PARALLEL,),
        )(lab_hbm, noi_hbm, out_hbm)

    return sc_kernel(table2, labels2d, noise2d)


def _packed_table(means, stds):
    means_inf = means.at[0].set(jnp.inf)
    mh = jax.lax.bitcast_convert_type(
        means_inf.astype(jnp.bfloat16), jnp.uint16
    ).astype(jnp.uint32)
    sh = jax.lax.bitcast_convert_type(
        stds.astype(jnp.bfloat16), jnp.uint16
    ).astype(jnp.uint32)
    return jax.lax.bitcast_convert_type((mh << 16) | sh, jnp.int32)


def kernel(labels, means, stds, noise):
    table = _packed_table(means, stds)
    labels2d = labels.reshape(ROWS, COLS).astype(jnp.int32)
    noise2d = noise.reshape(ROWS, COLS)

    partials = _sc_minmax(table, labels2d, noise2d)
    table2 = _tc_build_table(partials, means, stds).reshape(K)
    out = _sc_apply(table2, labels2d, noise2d)
    return out.reshape(VOL)

# --- scband reference (transcript-rebuilt; emitter-appended) ---
"""Pipeline reference for scband-labels-to-intensities-46952582480198 (READ-ONLY COPY).

The authoritative reference and input builder live on the scoring server;
editing this copy changes nothing except your own understanding.
"""

import jax, jax.numpy as jnp
import numpy as np

MU = 1.0
SIGMA = 2.0
MIN_V = 0.1
MAX_V = 0.5
K = 256
VOL = (256, 256, 256)


def setup_inputs(seed: int = 0) -> dict:
    key = jax.random.key(seed)
    k1, k2, k3, k4 = jax.random.split(key, 4)
    labels = jax.random.randint(k1, VOL, 0, K)
    # per-label GMM parameters (RandomGaussianMixtureTransform with mu=1, sigma=2)
    means = MU + SIGMA * jax.random.normal(k2, (K,), dtype=jnp.float32)
    stds = SIGMA * jax.random.uniform(k3, (K,), dtype=jnp.float32)
    # voxel-wise gaussian sampling noise
    noise = jax.random.normal(k4, VOL, dtype=jnp.float32)
    return {"labels": labels, "means": means, "stds": stds, "noise": noise}


def reference(labels, means, stds, noise):
    # label_mask = labels != 0
    mask = labels != 0
    # intensities = transform(labels): per-voxel sample from N(means[label], stds[label])
    intensities = jnp.take(means, labels, axis=0) + jnp.take(stds, labels, axis=0) * noise
    # intensities[~label_mask] = 0 is applied at the end via where
    big = jnp.asarray(jnp.finfo(jnp.float32).max, dtype=jnp.float32)
    vmin = jnp.min(jnp.where(mask, intensities, big))
    vmax = jnp.max(jnp.where(mask, intensities, -big))
    # MinMaxScaler(lower_bound=MIN_V, upper_bound=MAX_V) over foreground voxels
    scaled = (intensities - vmin) / (vmax - vmin) * (MAX_V - MIN_V) + MIN_V
    out = jnp.where(mask, scaled, jnp.float32(0.0))
    return out

if __name__ == "__main__":
    import jax
    _d = setup_inputs()
    print(jax.jit(kernel)(*tuple(_d.values())))

</pallas_src>

<mosaic_0001>
#map = affine_map<(d0, d1) -> (0)>
#map1 = affine_map<(d0, d1) -> (0, 0)>
module attributes {stable_mosaic.version = 14 : i64} {
  func.func @sc_kernel(%arg0: i32, %arg1: i32, %arg2: memref<256xi32, #tpu.memory_space<hbm>>, %arg3: memref<65536x256xi32, #tpu.memory_space<hbm>>, %arg4: memref<65536x256xf32, #tpu.memory_space<hbm>>, %arg5: memref<65536x256xf32, #tpu.memory_space<hbm>>, %arg6: memref<256xi32, #tpu.memory_space<vmem>>) attributes {dimension_semantics = [#tpu.dimension_semantics<core_parallel>, #tpu.dimension_semantics<subcore_parallel>], iteration_bounds = array<i64: 2, 16>, scalar_prefetch = 0 : i64, scratch_operands = 1 : i64, tpu.core_type = #tpu.core_type<sc_vector_subcore>, window_params = [{transform_indices = #map}, {transform_indices = #map1}, {transform_indices = #map1}, {transform_indices = #map1}]} {
    "tpu.region"() ({
      %run_scoped3A = tpu.sem_alloc : memref<!tpu.dma_semaphore, #tpu.memory_space<semaphore_mem>>
      tpu.enqueue_dma source(%arg2 : memref<256xi32, #tpu.memory_space<hbm>>) target(%arg6 : memref<256xi32, #tpu.memory_space<vmem>>) target_semaphore(%run_scoped3A : memref<!tpu.dma_semaphore, #tpu.memory_space<semaphore_mem>>)
      tpu.wait_dma2 semaphore(%run_scoped3A : memref<!tpu.dma_semaphore, #tpu.memory_space<semaphore_mem>>) src(%arg2 : memref<256xi32, #tpu.memory_space<hbm>>) dst(%arg6 : memref<256xi32, #tpu.memory_space<vmem>>)
      tpu.yield
    }) : () -> ()
    %mul3A = arith.constant 1 : i32
    %mul3A_0 = arith.muli %arg1, %mul3A : i32
    %add3A = arith.constant 0 : i32
    %add3A_1 = arith.addi %add3A, %mul3A_0 : i32
    %mul3A_2 = arith.constant 16 : i32
    %mul3A_3 = arith.muli %arg0, %mul3A_2 : i32
    %add3A_4 = arith.addi %add3A_1, %mul3A_3 : i32
    %mul3A_5 = arith.constant 32 : i32
    %mul3A_6 = arith.muli %add3A_4, %mul3A_5 : i32
    "tpu.region"() ({
      %run_scoped3A = memref.alloca() : memref<2x64x256xi32, #tpu.memory_space<vmem>>
      %run_scoped3A_7 = tpu.sem_alloc : memref<2x!tpu.dma_semaphore, #tpu.memory_space<semaphore_mem>>
      %run_scoped3A_8 = memref.alloca() : memref<2x64x256xf32, #tpu.memory_space<vmem>>
      %run_scoped3A_9 = tpu.sem_alloc : memref<2x!tpu.dma_semaphore, #tpu.memory_space<semaphore_mem>>
      %run_scoped3A_10 = memref.alloca() : memref<2x64x256xf32, #tpu.memory_space<vmem>>
      %run_scoped3A_11 = tpu.sem_alloc : memref<2x!tpu.dma_semaphore, #tpu.memory_space<semaphore_mem>>
      %add3A_12 = arith.constant 0 : i32
      %add3A_13 = arith.addi %add3A_12, %mul3A_6 : i32
      %select_n3A = arith.constant true
      %select_n3A_14 = arith.constant 0 : i32
      %select_n3A_15 = arith.constant -1 : i32
      %select_n3A_16 = arith.select %select_n3A, %select_n3A_15, %select_n3A_14 : i32
      %eq3A = arith.constant -1 : i32
      %eq3A_17 = arith.cmpi eq, %select_n3A_16, %eq3A : i32
      %select_n3A_18 = arith.constant 31 : i32
      %select_n3A_19 = arith.select %eq3A_17, %select_n3A_18, %select_n3A_16 : i32
      %add3A_20 = arith.addi %select_n3A_19, %mul3A_6 : i32
      %select_n3A_21 = arith.constant true
      %select_n3A_22 = arith.constant 0 : i32
      %select_n3A_23 = arith.constant 1 : i32
      %select_n3A_24 = arith.select %select_n3A_21, %select_n3A_23, %select_n3A_22 : i32
      %eq3A_25 = arith.constant 32 : i32
      %eq3A_26 = arith.cmpi eq, %select_n3A_24, %eq3A_25 : i32
      %select_n3A_27 = arith.constant 0 : i32
      %select_n3A_28 = arith.select %eq3A_26, %select_n3A_27, %select_n3A_24 : i32
      %add3A_29 = arith.addi %select_n3A_28, %mul3A_6 : i32
      %add3A_30 = arith.constant 1 : i32
      %add3A_31 = arith.addi %select_n3A_28, %add3A_30 : i32
      %select_n3A_32 = arith.constant true
      %select_n3A_33 = arith.select %select_n3A_32, %add3A_31, %select_n3A_28 : i32
      %eq3A_34 = arith.constant 32 : i32
      %eq3A_35 = arith.cmpi eq, %select_n3A_33, %eq3A_34 : i32
      %select_n3A_36 = arith.constant 0 : i32
      %select_n3A_37 = arith.select %eq3A_35, %select_n3A_36, %select_n3A_33 : i32
      %add3A_38 = arith.addi %select_n3A_37, %mul3A_6 : i32
      "tpu.trace_start"() <{level = 10 : i32, message = "ep_initialize_0"}> : () -> ()
      %rem3A = arith.constant 0 : i32
      %rem3A_39 = arith.constant 2 : i32
      %rem3A_40 = arith.remui %rem3A, %rem3A_39 : i32
      %mul3A_41 = arith.constant 64 : i32
      %mul3A_42 = arith.muli %mul3A_41, %add3A_13 : i32
      %dma_start3A = arith.constant 0 : i32
      %dma_start3A_43 = arith.constant 0 : i32
      %dma_start3A_44 = tpu.memref_slice %run_scoped3A[%rem3A_40, %dma_start3A, %dma_start3A_43] : memref<2x64x256xi32, #tpu.memory_space<vmem>> -> memref<1x64x256xi32, #tpu.memory_space<vmem>>
      %dma_start3A_45 = tpu.memref_squeeze %dma_start3A_44 : memref<1x64x256xi32, #tpu.memory_space<vmem>> -> memref<64x256xi32, #tpu.memory_space<vmem>>
      %dma_start3A_46 = arith.constant 0 : i32
      %dma_start3A_47 = tpu.memref_slice %arg3[%mul3A_42, %dma_start3A_46] : memref<65536x256xi32, #tpu.memory_space<hbm>> -> memref<64x256xi32, #tpu.memory_space<hbm>>
      %dma_start3A_48 = tpu.memref_slice %run_scoped3A_7[%rem3A_40] : memref<2x!tpu.dma_semaphore, #tpu.memory_space<semaphore_mem>> -> memref<1x!tpu.dma_semaphore, #tpu.memory_space<semaphore_mem>>
      %dma_start3A_49 = tpu.memref_squeeze %dma_start3A_48 : memref<1x!tpu.dma_semaphore, #tpu.memory_space<semaphore_mem>> -> memref<!tpu.dma_semaphore, #tpu.memory_space<semaphore_mem>>
      %dma_start3A_50 = arith.constant 0 : i32
      %dma_start3A_51 = arith.constant 0 : i32
      %dma_start3A_52 = tpu.memref_slice %run_scoped3A[%rem3A_40, %dma_start3A_50, %dma_start3A_51] : memref<2x64x256xi32, #tpu.memory_space<vmem>> -> memref<1x64x256xi32, #tpu.memory_space<vmem>>
      %dma_start3A_53 = tpu.memref_squeeze %dma_start3A_52 : memref<1x64x256xi32, #tpu.memory_space<vmem>> -> memref<64x256xi32, #tpu.memory_space<vmem>>
      %dma_start3A_54 = arith.constant 0 : i32
      %dma_start3A_55 = tpu.memref_slice %arg3[%mul3A_42, %dma_start3A_54] : memref<65536x256xi32, #tpu.memory_space<hbm>> -> memref<64x256xi32, #tpu.memory_space<hbm>>
      tpu.enqueue_dma source(%dma_start3A_55 : memref<64x256xi32, #tpu.memory_space<hbm>>) target(%dma_start3A_53 : memref<64x256xi32, #tpu.memory_space<vmem>>) target_semaphore(%dma_start3A_49 : memref<!tpu.dma_semaphore, #tpu.memory_space<semaphore_mem>>)
      %add3A_56 = arith.constant 0 : i32
      %add3A_57 = arith.constant 1 : i32
      %add3A_58 = arith.addi %add3A_56, %add3A_57 : i32
      %select_n3A_59 = arith.constant true
      %select_n3A_60 = arith.constant 0 : i32
      %select_n3A_61 = arith.select %select_n3A_59, %add3A_58, %select_n3A_60 : i32
      %rem3A_62 = arith.constant 0 : i32
      %rem3A_63 = arith.constant 2 : i32
      %rem3A_64 = arith.remui %rem3A_62, %rem3A_63 : i32
      %mul3A_65 = arith.constant 64 : i32
      %mul3A_66 = arith.muli %mul3A_65, %add3A_13 : i32
      %dma_start3A_67 = arith.constant 0 : i32
      %dma_start3A_68 = arith.constant 0 : i32
      %dma_start3A_69 = tpu.memref_slice %run_scoped3A_8[%rem3A_64, %dma_start3A_67, %dma_start3A_68] : memref<2x64x256xf32, #tpu.memory_space<vmem>> -> memref<1x64x256xf32, #tpu.memory_space<vmem>>
      %dma_start3A_70 = tpu.memref_squeeze %dma_start3A_69 : memref<1x64x256xf32, #tpu.memory_space<vmem>> -> memref<64x256xf32, #tpu.memory_space<vmem>>
      %dma_start3A_71 = arith.constant 0 : i32
      %dma_start3A_72 = tpu.memref_slice %arg4[%mul3A_66, %dma_start3A_71] : memref<65536x256xf32, #tpu.memory_space<hbm>> -> memref<64x256xf32, #tpu.memory_space<hbm>>
      %dma_start3A_73 = tpu.memref_slice %run_scoped3A_9[%rem3A_64] : memref<2x!tpu.dma_semaphore, #tpu.memory_space<semaphore_mem>> -> memref<1x!tpu.dma_semaphore, #tpu.memory_space<semaphore_mem>>
      %dma_start3A_74 = tpu.memref_squeeze %dma_start3A_73 : memref<1x!tpu.dma_semaphore, #tpu.memory_space<semaphore_mem>> -> memref<!tpu.dma_semaphore, #tpu.memory_space<semaphore_mem>>
      %dma_start3A_75 = arith.constant 0 : i32
      %dma_start3A_76 = arith.constant 0 : i32
      %dma_start3A_77 = tpu.memref_slice %run_scoped3A_8[%rem3A_64, %dma_start3A_75, %dma_start3A_76] : memref<2x64x256xf32, #tpu.memory_space<vmem>> -> memref<1x64x256xf32, #tpu.memory_space<vmem>>
      %dma_start3A_78 = tpu.memref_squeeze %dma_start3A_77 : memref<1x64x256xf32, #tpu.memory_space<vmem>> -> memref<64x256xf32, #tpu.memory_space<vmem>>
      %dma_start3A_79 = arith.constant 0 : i32
      %dma_start3A_80 = tpu.memref_slice %arg4[%mul3A_66, %dma_start3A_79] : memref<65536x256xf32, #tpu.memory_space<hbm>> -> memref<64x256xf32, #tpu.memory_space<hbm>>
      tpu.enqueue_dma source(%dma_start3A_80 : memref<64x256xf32, #tpu.memory_space<hbm>>) target(%dma_start3A_78 : memref<64x256xf32, #tpu.memory_space<vmem>>) target_semaphore(%dma_start3A_74 : memref<!tpu.dma_semaphore, #tpu.memory_space<semaphore_mem>>)
      %add3A_81 = arith.constant 0 : i32
      %add3A_82 = arith.constant 1 : i32
      %add3A_83 = arith.addi %add3A_81, %add3A_82 : i32
      %select_n3A_84 = arith.constant true
      %select_n3A_85 = arith.constant 0 : i32
      %select_n3A_86 = arith.select %select_n3A_84, %add3A_83, %select_n3A_85 : i32
      "tpu.trace_stop"() : () -> ()
      %scan3A = arith.constant 0 : i32
      %scan3A_87 = arith.constant 0 : i32
      %scan3A_88 = arith.constant 0 : i32
      %scan3A_89 = arith.constant 0 : i32
      %scan3A_90 = arith.constant 0 : i32
      %scan3A_91 = arith.constant 0 : i32
      %scan3A_92 = arith.constant 32 : i32
      %scan3A_93 = arith.addi %scan3A_91, %scan3A_92 : i32
      %scan3A_94 = arith.constant 1 : i32
      %scan3A_95:7 = scf.for %scan3A_149 = %scan3A_91 to %scan3A_93 step %scan3A_94 iter_args(%scan3A_150 = %select_n3A_61, %scan3A_151 = %scan3A, %scan3A_152 = %select_n3A_86, %scan3A_153 = %scan3A_87, %scan3A_154 = %scan3A_88, %scan3A_155 = %scan3A_89, %scan3A_156 = %scan3A_90) -> (i32, i32, i32, i32, i32, i32, i32)  : i32 {
        %eq3A_157 = arith.constant 0 : i32
        %eq3A_158 = arith.cmpi eq, %scan3A_149, %eq3A_157 : i32
        %eq3A_159 = arith.constant 31 : i32
        %eq3A_160 = arith.cmpi eq, %scan3A_149, %eq3A_159 : i32
        %add3A_161 = arith.addi %scan3A_156, %mul3A_6 : i32
        %sub3A_162 = arith.constant 1 : i32
        %sub3A_163 = arith.subi %scan3A_156, %sub3A_162 : i32
        %select_n3A_164 = arith.constant true
        %select_n3A_165 = arith.select %select_n3A_164, %sub3A_163, %scan3A_156 : i32
        %eq3A_166 = arith.constant -1 : i32
        %eq3A_167 = arith.cmpi eq, %select_n3A_165, %eq3A_166 : i32
        %select_n3A_168 = arith.constant 31 : i32
        %select_n3A_169 = arith.select %eq3A_167, %select_n3A_168, %select_n3A_165 : i32
        %add3A_170 = arith.addi %select_n3A_169, %mul3A_6 : i32
        %add3A_171 = arith.constant 1 : i32
        %add3A_172 = arith.addi %scan3A_156, %add3A_171 : i32
        %select_n3A_173 = arith.constant true
        %select_n3A_174 = arith.select %select_n3A_173, %add3A_172, %scan3A_156 : i32
        %eq3A_175 = arith.constant 32 : i32
        %eq3A_176 = arith.cmpi eq, %select_n3A_174, %eq3A_175 : i32
        %select_n3A_177 = arith.constant 0 : i32
        %select_n3A_178 = arith.select %eq3A_176, %select_n3A_177, %select_n3A_174 : i32
        %add3A_179 = arith.addi %select_n3A_178, %mul3A_6 : i32
        %add3A_180 = arith.constant 1 : i32
        %add3A_181 = arith.addi %select_n3A_178, %add3A_180 : i32
        %select_n3A_182 = arith.constant true
        %select_n3A_183 = arith.select %select_n3A_182, %add3A_181, %select_n3A_178 : i32
        %eq3A_184 = arith.constant 32 : i32
        %eq3A_185 = arith.cmpi eq, %select_n3A_183, %eq3A_184 : i32
        %select_n3A_186 = arith.constant 0 : i32
        %select_n3A_187 = arith.select %eq3A_185, %select_n3A_186, %select_n3A_183 : i32
        %add3A_188 = arith.addi %select_n3A_187, %mul3A_6 : i32
        %ne3A = arith.cmpi ne, %add3A_161, %add3A_179 : i32
        %or3A = arith.constant false
        %or3A_189 = arith.ori %or3A, %ne3A : i1
        %or3A_190 = arith.constant false
        %or3A_191 = arith.ori %or3A_189, %or3A_190 : i1
        %ge3A = arith.constant 31 : i32
        %ge3A_192 = arith.cmpi sge, %scan3A_149, %ge3A : i32
        %not3A = arith.constant true
        %not3A_193 = arith.xori %ge3A_192, %not3A : i1
        %and3A = arith.andi %or3A_191, %not3A_193 : i1
        %convert_element_type3A = arith.extui %and3A : i1 to i32
        %cond3A = arith.constant 0 : i32
        %cond3A_194 = arith.cmpi ne, %convert_element_type3A, %cond3A : i32
        scf.if %cond3A_194 {
          "tpu.trace_start"() <{level = 10 : i32, message = "ep_copy_in"}> : () -> ()
          %rem3A_367 = arith.constant 2 : i32
          %rem3A_368 = arith.remui %scan3A_150, %rem3A_367 : i32
          %mul3A_369 = arith.constant 64 : i32
          %mul3A_370 = arith.muli %mul3A_369, %add3A_179 : i32
          %dma_start3A_371 = arith.constant 0 : i32
          %dma_start3A_372 = arith.constant 0 : i32
          %dma_start3A_373 = tpu.memref_slice %run_scoped3A[%rem3A_368, %dma_start3A_371, %dma_start3A_372] : memref<2x64x256xi32, #tpu.memory_space<vmem>> -> memref<1x64x256xi32, #tpu.memory_space<vmem>>
          %dma_start3A_374 = tpu.memref_squeeze %dma_start3A_373 : memref<1x64x256xi32, #tpu.memory_space<vmem>> -> memref<64x256xi32, #tpu.memory_space<vmem>>
          %dma_start3A_375 = arith.constant 0 : i32
          %dma_start3A_376 = tpu.memref_slice %arg3[%mul3A_370, %dma_start3A_375] : memref<65536x256xi32, #tpu.memory_space<hbm>> -> memref<64x256xi32, #tpu.memory_space<hbm>>
          %dma_start3A_377 = tpu.memref_slice %run_scoped3A_7[%rem3A_368] : memref<2x!tpu.dma_semaphore, #tpu.memory_space<semaphore_mem>> -> memref<1x!tpu.dma_semaphore, #tpu.memory_space<semaphore_mem>>
          %dma_start3A_378 = tpu.memref_squeeze %dma_start3A_377 : memref<1x!tpu.dma_semaphore, #tpu.memory_space<semaphore_mem>> -> memref<!tpu.dma_semaphore, #tpu.memory_space<semaphore_mem>>
          %dma_start3A_379 = arith.constant 0 : i32
          %dma_start3A_380 = arith.constant 0 : i32
          %dma_start3A_381 = tpu.memref_slice %run_scoped3A[%rem3A_368, %dma_start3A_379, %dma_start3A_380] : memref<2x64x256xi32, #tpu.memory_space<vmem>> -> memref<1x64x256xi32, #tpu.memory_space<vmem>>
          %dma_start3A_382 = tpu.memref_squeeze %dma_start3A_381 : memref<1x64x256xi32, #tpu.memory_space<vmem>> -> memref<64x256xi32, #tpu.memory_space<vmem>>
          %dma_start3A_383 = arith.constant 0 : i32
          %dma_start3A_384 = tpu.memref_slice %arg3[%mul3A_370, %dma_start3A_383] : memref<65536x256xi32, #tpu.memory_space<hbm>> -> memref<64x256xi32, #tpu.memory_space<hbm>>
          tpu.enqueue_dma source(%dma_start3A_384 : memref<64x256xi32, #tpu.memory_space<hbm>>) target(%dma_start3A_382 : memref<64x256xi32, #tpu.memory_space<vmem>>) target_semaphore(%dma_start3A_378 : memref<!tpu.dma_semaphore, #tpu.memory_space<semaphore_mem>>)
          "tpu.trace_stop"() : () -> ()
        } else {
        }
        %and3A_195 = arith.constant true
        %and3A_196 = arith.andi %and3A, %and3A_195 : i1
        %add3A_197 = arith.constant 1 : i32
        %add3A_198 = arith.addi %scan3A_150, %add3A_197 : i32
        %select_n3A_199 = arith.select %and3A_196, %add3A_198, %scan3A_150 : i32
        %ne3A_200 = arith.cmpi ne, %add3A_161, %add3A_179 : i32
        %or3A_201 = arith.constant false
        %or3A_202 = arith.ori %or3A_201, %ne3A_200 : i1
        %or3A_203 = arith.constant false
        %or3A_204 = arith.ori %or3A_202, %or3A_203 : i1
        %ge3A_205 = arith.constant 31 : i32
        %ge3A_206 = arith.cmpi sge, %scan3A_149, %ge3A_205 : i32
        %not3A_207 = arith.constant true
        %not3A_208 = arith.xori %ge3A_206, %not3A_207 : i1
        %and3A_209 = arith.andi %or3A_204, %not3A_208 : i1
        %convert_element_type3A_210 = arith.extui %and3A_209 : i1 to i32
        %cond3A_211 = arith.constant 0 : i32
        %cond3A_212 = arith.cmpi ne, %convert_element_type3A_210, %cond3A_211 : i32
        scf.if %cond3A_212 {
          "tpu.trace_start"() <{level = 10 : i32, message = "ep_copy_in"}> : () -> ()
          %rem3A_367 = arith.constant 2 : i32
          %rem3A_368 = arith.remui %scan3A_152, %rem3A_367 : i32
          %mul3A_369 = arith.constant 64 : i32
          %mul3A_370 = arith.muli %mul3A_369, %add3A_179 : i32
          %dma_start3A_371 = arith.constant 0 : i32
          %dma_start3A_372 = arith.constant 0 : i32
          %dma_start3A_373 = tpu.memref_slice %run_scoped3A_8[%rem3A_368, %dma_start3A_371, %dma_start3A_372] : memref<2x64x256xf32, #tpu.memory_space<vmem>> -> memref<1x64x256xf32, #tpu.memory_space<vmem>>
          %dma_start3A_374 = tpu.memref_squeeze %dma_start3A_373 : memref<1x64x256xf32, #tpu.memory_space<vmem>> -> memref<64x256xf32, #tpu.memory_space<vmem>>
          %dma_start3A_375 = arith.constant 0 : i32
          %dma_start3A_376 = tpu.memref_slice %arg4[%mul3A_370, %dma_start3A_375] : memref<65536x256xf32, #tpu.memory_space<hbm>> -> memref<64x256xf32, #tpu.memory_space<hbm>>
          %dma_start3A_377 = tpu.memref_slice %run_scoped3A_9[%rem3A_368] : memref<2x!tpu.dma_semaphore, #tpu.memory_space<semaphore_mem>> -> memref<1x!tpu.dma_semaphore, #tpu.memory_space<semaphore_mem>>
          %dma_start3A_378 = tpu.memref_squeeze %dma_start3A_377 : memref<1x!tpu.dma_semaphore, #tpu.memory_space<semaphore_mem>> -> memref<!tpu.dma_semaphore, #tpu.memory_space<semaphore_mem>>
          %dma_start3A_379 = arith.constant 0 : i32
          %dma_start3A_380 = arith.constant 0 : i32
          %dma_start3A_381 = tpu.memref_slice %run_scoped3A_8[%rem3A_368, %dma_start3A_379, %dma_start3A_380] : memref<2x64x256xf32, #tpu.memory_space<vmem>> -> memref<1x64x256xf32, #tpu.memory_space<vmem>>
          %dma_start3A_382 = tpu.memref_squeeze %dma_start3A_381 : memref<1x64x256xf32, #tpu.memory_space<vmem>> -> memref<64x256xf32, #tpu.memory_space<vmem>>
          %dma_start3A_383 = arith.constant 0 : i32
          %dma_start3A_384 = tpu.memref_slice %arg4[%mul3A_370, %dma_start3A_383] : memref<65536x256xf32, #tpu.memory_space<hbm>> -> memref<64x256xf32, #tpu.memory_space<hbm>>
          tpu.enqueue_dma source(%dma_start3A_384 : memref<64x256xf32, #tpu.memory_space<hbm>>) target(%dma_start3A_382 : memref<64x256xf32, #tpu.memory_space<vmem>>) target_semaphore(%dma_start3A_378 : memref<!tpu.dma_semaphore, #tpu.memory_space<semaphore_mem>>)
          "tpu.trace_stop"() : () -> ()
        } else {
        }
        %and3A_213 = arith.constant true
        %and3A_214 = arith.andi %and3A_209, %and3A_213 : i1
        %add3A_215 = arith.constant 1 : i32
        %add3A_216 = arith.addi %scan3A_152, %add3A_215 : i32
        %select_n3A_217 = arith.select %and3A_214, %add3A_216, %scan3A_152 : i32
        %ne3A_218 = arith.cmpi ne, %add3A_161, %add3A_179 : i32
        %or3A_219 = arith.constant false
        %or3A_220 = arith.ori %or3A_219, %ne3A_218 : i1
        %or3A_221 = arith.constant false
        %or3A_222 = arith.ori %or3A_220, %or3A_221 : i1
        %ge3A_223 = arith.constant 31 : i32
        %ge3A_224 = arith.cmpi sge, %scan3A_149, %ge3A_223 : i32
        %not3A_225 = arith.constant true
        %not3A_226 = arith.xori %ge3A_224, %not3A_225 : i1
        %and3A_227 = arith.andi %or3A_222, %not3A_226 : i1
        %ne3A_228 = arith.cmpi ne, %add3A_161, %add3A_170 : i32
        %or3A_229 = arith.constant false
        %or3A_230 = arith.ori %or3A_229, %ne3A_228 : i1
        %or3A_231 = arith.constant false
        %or3A_232 = arith.ori %or3A_230, %or3A_231 : i1
        %or3A_233 = arith.ori %or3A_232, %eq3A_158 : i1
        %convert_element_type3A_234 = arith.extui %or3A_233 : i1 to i32
        %cond3A_235 = arith.constant 0 : i32
        %cond3A_236 = arith.cmpi ne, %convert_element_type3A_234, %cond3A_235 : i32
        scf.if %cond3A_236 {
          "tpu.trace_start"() <{level = 10 : i32, message = "ep_wait_in"}> : () -> ()
          %mul3A_367 = arith.constant 64 : i32
          %mul3A_368 = arith.muli %mul3A_367, %add3A_161 : i32
          %rem3A_369 = arith.constant 2 : i32
          %rem3A_370 = arith.remui %scan3A_151, %rem3A_369 : i32
          %dma_wait3A_371 = arith.constant 0 : i32
          %dma_wait3A_372 = arith.constant 0 : i32
          %dma_wait3A_373 = tpu.memref_slice %run_scoped3A[%rem3A_370, %dma_wait3A_371, %dma_wait3A_372] : memref<2x64x256xi32, #tpu.memory_space<vmem>> -> memref<1x64x256xi32, #tpu.memory_space<vmem>>
          %dma_wait3A_374 = tpu.memref_squeeze %dma_wait3A_373 : memref<1x64x256xi32, #tpu.memory_space<vmem>> -> memref<64x256xi32, #tpu.memory_space<vmem>>
          %dma_wait3A_375 = arith.constant 0 : i32
          %dma_wait3A_376 = tpu.memref_slice %arg3[%mul3A_368, %dma_wait3A_375] : memref<65536x256xi32, #tpu.memory_space<hbm>> -> memref<64x256xi32, #tpu.memory_space<hbm>>
          %dma_wait3A_377 = tpu.memref_slice %run_scoped3A_7[%rem3A_370] : memref<2x!tpu.dma_semaphore, #tpu.memory_space<semaphore_mem>> -> memref<1x!tpu.dma_semaphore, #tpu.memory_space<semaphore_mem>>
          %dma_wait3A_378 = tpu.memref_squeeze %dma_wait3A_377 : memref<1x!tpu.dma_semaphore, #tpu.memory_space<semaphore_mem>> -> memref<!tpu.dma_semaphore, #tpu.memory_space<semaphore_mem>>
          %dma_wait3A_379 = arith.constant 0 : i32
          %dma_wait3A_380 = arith.constant 0 : i32
          %dma_wait3A_381 = tpu.memref_slice %run_scoped3A[%rem3A_370, %dma_wait3A_379, %dma_wait3A_380] : memref<2x64x256xi32, #tpu.memory_space<vmem>> -> memref<1x64x256xi32, #tpu.memory_space<vmem>>
          %dma_wait3A_382 = tpu.memref_squeeze %dma_wait3A_381 : memref<1x64x256xi32, #tpu.memory_space<vmem>> -> memref<64x256xi32, #tpu.memory_space<vmem>>
          %dma_wait3A_383 = arith.constant 0 : i32
          %dma_wait3A_384 = tpu.memref_slice %arg3[%mul3A_368, %dma_wait3A_383] : memref<65536x256xi32, #tpu.memory_space<hbm>> -> memref<64x256xi32, #tpu.memory_space<hbm>>
          tpu.wait_dma2 semaphore(%dma_wait3A_378 : memref<!tpu.dma_semaphore, #tpu.memory_space<semaphore_mem>>) src(%dma_wait3A_384 : memref<64x256xi32, #tpu.memory_space<hbm>>) dst(%dma_wait3A_382 : memref<64x256xi32, #tpu.memory_space<vmem>>)
          "tpu.trace_stop"() : () -> ()
        } else {
        }
        %ne3A_237 = arith.cmpi ne, %add3A_161, %add3A_170 : i32
        %or3A_238 = arith.constant false
        %or3A_239 = arith.ori %or3A_238, %ne3A_237 : i1
        %or3A_240 = arith.constant false
        %or3A_241 = arith.ori %or3A_239, %or3A_240 : i1
        %or3A_242 = arith.ori %or3A_241, %eq3A_158 : i1
        %convert_element_type3A_243 = arith.extui %or3A_242 : i1 to i32
        %cond3A_244 = arith.constant 0 : i32
        %cond3A_245 = arith.cmpi ne, %convert_element_type3A_243, %cond3A_244 : i32
        scf.if %cond3A_245 {
          "tpu.trace_start"() <{level = 10 : i32, message = "ep_wait_in"}> : () -> ()
          %mul3A_367 = arith.constant 64 : i32
          %mul3A_368 = arith.muli %mul3A_367, %add3A_161 : i32
          %rem3A_369 = arith.constant 2 : i32
          %rem3A_370 = arith.remui %scan3A_153, %rem3A_369 : i32
          %dma_wait3A_371 = arith.constant 0 : i32
          %dma_wait3A_372 = arith.constant 0 : i32
          %dma_wait3A_373 = tpu.memref_slice %run_scoped3A_8[%rem3A_370, %dma_wait3A_371, %dma_wait3A_372] : memref<2x64x256xf32, #tpu.memory_space<vmem>> -> memref<1x64x256xf32, #tpu.memory_space<vmem>>
          %dma_wait3A_374 = tpu.memref_squeeze %dma_wait3A_373 : memref<1x64x256xf32, #tpu.memory_space<vmem>> -> memref<64x256xf32, #tpu.memory_space<vmem>>
          %dma_wait3A_375 = arith.constant 0 : i32
          %dma_wait3A_376 = tpu.memref_slice %arg4[%mul3A_368, %dma_wait3A_375] : memref<65536x256xf32, #tpu.memory_space<hbm>> -> memref<64x256xf32, #tpu.memory_space<hbm>>
          %dma_wait3A_377 = tpu.memref_slice %run_scoped3A_9[%rem3A_370] : memref<2x!tpu.dma_semaphore, #tpu.memory_space<semaphore_mem>> -> memref<1x!tpu.dma_semaphore, #tpu.memory_space<semaphore_mem>>
          %dma_wait3A_378 = tpu.memref_squeeze %dma_wait3A_377 : memref<1x!tpu.dma_semaphore, #tpu.memory_space<semaphore_mem>> -> memref<!tpu.dma_semaphore, #tpu.memory_space<semaphore_mem>>
          %dma_wait3A_379 = arith.constant 0 : i32
          %dma_wait3A_380 = arith.constant 0 : i32
          %dma_wait3A_381 = tpu.memref_slice %run_scoped3A_8[%rem3A_370, %dma_wait3A_379, %dma_wait3A_380] : memref<2x64x256xf32, #tpu.memory_space<vmem>> -> memref<1x64x256xf32, #tpu.memory_space<vmem>>
          %dma_wait3A_382 = tpu.memref_squeeze %dma_wait3A_381 : memref<1x64x256xf32, #tpu.memory_space<vmem>> -> memref<64x256xf32, #tpu.memory_space<vmem>>
          %dma_wait3A_383 = arith.constant 0 : i32
          %dma_wait3A_384 = tpu.memref_slice %arg4[%mul3A_368, %dma_wait3A_383] : memref<65536x256xf32, #tpu.memory_space<hbm>> -> memref<64x256xf32, #tpu.memory_space<hbm>>
          tpu.wait_dma2 semaphore(%dma_wait3A_378 : memref<!tpu.dma_semaphore, #tpu.memory_space<semaphore_mem>>) src(%dma_wait3A_384 : memref<64x256xf32, #tpu.memory_space<hbm>>) dst(%dma_wait3A_382 : memref<64x256xf32, #tpu.memory_space<vmem>>)
          "tpu.trace_stop"() : () -> ()
        } else {
        }
        %ne3A_246 = arith.cmpi ne, %add3A_161, %add3A_170 : i32
        %or3A_247 = arith.constant false
        %or3A_248 = arith.ori %or3A_247, %ne3A_246 : i1
        %or3A_249 = arith.constant false
        %or3A_250 = arith.ori %or3A_248, %or3A_249 : i1
        %or3A_251 = arith.ori %or3A_250, %eq3A_158 : i1
        %convert_element_type3A_252 = arith.extui %or3A_251 : i1 to i32
        %cond3A_253 = arith.constant 0 : i32
        %cond3A_254 = arith.cmpi ne, %convert_element_type3A_252, %cond3A_253 : i32
        scf.if %cond3A_254 {
        } else {
        }
        %rem3A_255 = arith.constant 2 : i32
        %rem3A_256 = arith.remui %scan3A_151, %rem3A_255 : i32
        %rem3A_257 = arith.constant 2 : i32
        %rem3A_258 = arith.remui %scan3A_153, %rem3A_257 : i32
        %rem3A_259 = arith.constant 2 : i32
        %rem3A_260 = arith.remui %scan3A_154, %rem3A_259 : i32
        %parallel_loop3A = arith.constant 0 : i32
        %parallel_loop3A_261 = arith.constant 1024 : i32
        %parallel_loop3A_262 = arith.constant 1 : i32
        "tpu.trace_start"() <{level = 10 : i32, message = "ep_run_kernel"}> : () -> ()
        scf.for %parallel_loop3A_367 = %parallel_loop3A to %parallel_loop3A_261 step %parallel_loop3A_262  : i32 {
          %parallel_loop3A_368 = arith.constant 4 : i32
          %parallel_loop3A_369 = arith.shrsi %parallel_loop3A_367, %parallel_loop3A_368 : i32
          %parallel_loop3A_370 = arith.constant 15 : i32
          %parallel_loop3A_371 = arith.andi %parallel_loop3A_367, %parallel_loop3A_370 : i32
          %parallel_loop3A_372 = arith.constant 16 : i32
          %parallel_loop3A_373 = arith.muli %parallel_loop3A_371, %parallel_loop3A_372 : i32
          %parallel_loop3A_374 = arith.constant 0 : i32
          %parallel_loop3A_375 = arith.constant 0 : i32
          %parallel_loop3A_376 = tpu.memref_slice %run_scoped3A[%rem3A_256, %parallel_loop3A_374, %parallel_loop3A_375] : memref<2x64x256xi32, #tpu.memory_space<vmem>> -> memref<1x64x256xi32, #tpu.memory_space<vmem>>
          %parallel_loop3A_377 = tpu.memref_squeeze %parallel_loop3A_376 : memref<1x64x256xi32, #tpu.memory_space<vmem>> -> memref<64x256xi32, #tpu.memory_space<vmem>>
          %parallel_loop3A_378 = arith.index_cast %parallel_loop3A_369 : i32 to index
          %parallel_loop3A_379 = arith.index_cast %parallel_loop3A_373 : i32 to index
          %parallel_loop3A_380 = tpu.vector_load %parallel_loop3A_377[%parallel_loop3A_378, %parallel_loop3A_379] {strides = array<i32>} : memref<64x256xi32, #tpu.memory_space<vmem>>, vector<16xi32>,
          %parallel_loop3A_381 = tpu.vector_load_idx %arg6[%parallel_loop3A_380] : memref<256xi32, #tpu.memory_space<vmem>>[vector<16xi32>], vector<16xi32>,
          %parallel_loop3A_382 = arith.constant -65536 : i32
          %parallel_loop3A_383 = vector.broadcast %parallel_loop3A_382 : i32 to vector<16xi32>
          %parallel_loop3A_384 = arith.andi %parallel_loop3A_381, %parallel_loop3A_383 : vector<16xi32>
          %parallel_loop3A_385 = tpu.bitcast %parallel_loop3A_384 : vector<16xi32> -> vector<16xf32>
          %parallel_loop3A_386 = arith.constant 16 : i32
          %parallel_loop3A_387 = vector.broadcast %parallel_loop3A_386 : i32 to vector<16xi32>
          %parallel_loop3A_388 = arith.shli %parallel_loop3A_381, %parallel_loop3A_387 : vector<16xi32>
          %parallel_loop3A_389 = tpu.bitcast %parallel_loop3A_388 : vector<16xi32> -> vector<16xf32>
          %parallel_loop3A_390 = arith.constant 0 : i32
          %parallel_loop3A_391 = arith.constant 0 : i32
          %parallel_loop3A_392 = tpu.memref_slice %run_scoped3A_8[%rem3A_258, %parallel_loop3A_390, %parallel_loop3A_391] : memref<2x64x256xf32, #tpu.memory_space<vmem>> -> memref<1x64x256xf32, #tpu.memory_space<vmem>>
          %parallel_loop3A_393 = tpu.memref_squeeze %parallel_loop3A_392 : memref<1x64x256xf32, #tpu.memory_space<vmem>> -> memref<64x256xf32, #tpu.memory_space<vmem>>
          %parallel_loop3A_394 = arith.index_cast %parallel_loop3A_369 : i32 to index
          %parallel_loop3A_395 = arith.index_cast %parallel_loop3A_373 : i32 to index
          %parallel_loop3A_396 = tpu.vector_load %parallel_loop3A_393[%parallel_loop3A_394, %parallel_loop3A_395] {strides = array<i32>} : memref<64x256xf32, #tpu.memory_space<vmem>>, vector<16xf32>,
          %parallel_loop3A_397 = arith.mulf %parallel_loop3A_389, %parallel_loop3A_396 : vector<16xf32>
          %parallel_loop3A_398 = arith.addf %parallel_loop3A_385, %parallel_loop3A_397 : vector<16xf32>
          %parallel_loop3A_399 = arith.constant 0 : i32
          %parallel_loop3A_400 = arith.constant 0 : i32
          %parallel_loop3A_401 = tpu.memref_slice %run_scoped3A_10[%rem3A_260, %parallel_loop3A_399, %parallel_loop3A_400] : memref<2x64x256xf32, #tpu.memory_space<vmem>> -> memref<1x64x256xf32, #tpu.memory_space<vmem>>
          %parallel_loop3A_402 = tpu.memref_squeeze %parallel_loop3A_401 : memref<1x64x256xf32, #tpu.memory_space<vmem>> -> memref<64x256xf32, #tpu.memory_space<vmem>>
          %parallel_loop3A_403 = arith.index_cast %parallel_loop3A_369 : i32 to index
          %parallel_loop3A_404 = arith.index_cast %parallel_loop3A_373 : i32 to index
          %parallel_loop3A_405 = tpu.vector_load %parallel_loop3A_402[%parallel_loop3A_403, %parallel_loop3A_404] {strides = array<i32>} : memref<64x256xf32, #tpu.memory_space<vmem>>, vector<16xf32>,
          tpu.vector_store %parallel_loop3A_402[%parallel_loop3A_403, %parallel_loop3A_404], %parallel_loop3A_398 {strides = array<i32>} : memref<64x256xf32, #tpu.memory_space<vmem>>, vector<16xf32>,
        } {sc.loop_unroll_factor = 16 : i64, sc.parallel_access}
        "tpu.trace_stop"() : () -> ()
        %ne3A_263 = arith.cmpi ne, %add3A_161, %add3A_179 : i32
        %or3A_264 = arith.constant false
        %or3A_265 = arith.ori %or3A_264, %ne3A_263 : i1
        %or3A_266 = arith.constant false
        %or3A_267 = arith.ori %or3A_265, %or3A_266 : i1
        %or3A_268 = arith.ori %or3A_267, %eq3A_160 : i1
        %convert_element_type3A_269 = arith.extui %or3A_268 : i1 to i32
        %cond3A_270 = arith.constant 0 : i32
        %cond3A_271 = arith.cmpi ne, %convert_element_type3A_269, %cond3A_270 : i32
        scf.if %cond3A_271 {
        } else {
        }
        %and3A_272 = arith.constant false
        %and3A_273 = arith.andi %or3A_268, %and3A_272 : i1
        %ne3A_274 = arith.cmpi ne, %add3A_161, %add3A_179 : i32
        %or3A_275 = arith.constant false
        %or3A_276 = arith.ori %or3A_275, %ne3A_274 : i1
        %or3A_277 = arith.constant false
        %or3A_278 = arith.ori %or3A_276, %or3A_277 : i1
        %or3A_279 = arith.ori %or3A_278, %eq3A_160 : i1
        %convert_element_type3A_280 = arith.extui %or3A_279 : i1 to i32
        %cond3A_281 = arith.constant 0 : i32
        %cond3A_282 = arith.cmpi ne, %convert_element_type3A_280, %cond3A_281 : i32
        scf.if %cond3A_282 {
        } else {
        }
        %and3A_283 = arith.constant false
        %and3A_284 = arith.andi %or3A_279, %and3A_283 : i1
        %ne3A_285 = arith.cmpi ne, %add3A_161, %add3A_179 : i32
        %or3A_286 = arith.constant false
        %or3A_287 = arith.ori %or3A_286, %ne3A_285 : i1
        %or3A_288 = arith.constant false
        %or3A_289 = arith.ori %or3A_287, %or3A_288 : i1
        %or3A_290 = arith.ori %or3A_289, %eq3A_160 : i1
        %convert_element_type3A_291 = arith.extui %or3A_290 : i1 to i32
        %cond3A_292 = arith.constant 0 : i32
        %cond3A_293 = arith.cmpi ne, %convert_element_type3A_291, %cond3A_292 : i32
        scf.if %cond3A_293 {
          "tpu.trace_start"() <{level = 10 : i32, message = "ep_copy_out"}> : () -> ()
          %rem3A_367 = arith.constant 2 : i32
          %rem3A_368 = arith.remui %scan3A_154, %rem3A_367 : i32
          %mul3A_369 = arith.constant 64 : i32
          %mul3A_370 = arith.muli %mul3A_369, %add3A_161 : i32
          %dma_start3A_371 = arith.constant 0 : i32
          %dma_start3A_372 = arith.constant 0 : i32
          %dma_start3A_373 = tpu.memref_slice %run_scoped3A_10[%rem3A_368, %dma_start3A_371, %dma_start3A_372] : memref<2x64x256xf32, #tpu.memory_space<vmem>> -> memref<1x64x256xf32, #tpu.memory_space<vmem>>
          %dma_start3A_374 = tpu.memref_squeeze %dma_start3A_373 : memref<1x64x256xf32, #tpu.memory_space<vmem>> -> memref<64x256xf32, #tpu.memory_space<vmem>>
          %dma_start3A_375 = arith.constant 0 : i32
          %dma_start3A_376 = tpu.memref_slice %arg5[%mul3A_370, %dma_start3A_375] : memref<65536x256xf32, #tpu.memory_space<hbm>> -> memref<64x256xf32, #tpu.memory_space<hbm>>
          %dma_start3A_377 = tpu.memref_slice %run_scoped3A_11[%rem3A_368] : memref<2x!tpu.dma_semaphore, #tpu.memory_space<semaphore_mem>> -> memref<1x!tpu.dma_semaphore, #tpu.memory_space<semaphore_mem>>
          %dma_start3A_378 = tpu.memref_squeeze %dma_start3A_377 : memref<1x!tpu.dma_semaphore, #tpu.memory_space<semaphore_mem>> -> memref<!tpu.dma_semaphore, #tpu.memory_space<semaphore_mem>>
          %dma_start3A_379 = arith.constant 0 : i32
          %dma_start3A_380 = tpu.memref_slice %arg5[%mul3A_370, %dma_start3A_379] : memref<65536x256xf32, #tpu.memory_space<hbm>> -> memref<64x256xf32, #tpu.memory_space<hbm>>
          %dma_start3A_381 = arith.constant 0 : i32
          %dma_start3A_382 = arith.constant 0 : i32
          %dma_start3A_383 = tpu.memref_slice %run_scoped3A_10[%rem3A_368, %dma_start3A_381, %dma_start3A_382] : memref<2x64x256xf32, #tpu.memory_space<vmem>> -> memref<1x64x256xf32, #tpu.memory_space<vmem>>
          %dma_start3A_384 = tpu.memref_squeeze %dma_start3A_383 : memref<1x64x256xf32, #tpu.memory_space<vmem>> -> memref<64x256xf32, #tpu.memory_space<vmem>>
          tpu.enqueue_dma source(%dma_start3A_384 : memref<64x256xf32, #tpu.memory_space<vmem>>) target(%dma_start3A_380 : memref<64x256xf32, #tpu.memory_space<hbm>>) target_semaphore(%dma_start3A_378 : memref<!tpu.dma_semaphore, #tpu.memory_space<semaphore_mem>>)
          "tpu.trace_stop"() : () -> ()
        } else {
        }
        %and3A_294 = arith.constant true
        %and3A_295 = arith.andi %or3A_290, %and3A_294 : i1
        %add3A_296 = arith.constant 1 : i32
        %add3A_297 = arith.addi %scan3A_154, %add3A_296 : i32
        %select_n3A_298 = arith.select %and3A_295, %add3A_297, %scan3A_154 : i32
        %ne3A_299 = arith.cmpi ne, %add3A_161, %add3A_170 : i32
        %or3A_300 = arith.constant false
        %or3A_301 = arith.ori %or3A_300, %ne3A_299 : i1
        %or3A_302 = arith.constant false
        %or3A_303 = arith.ori %or3A_301, %or3A_302 : i1
        %not3A_304 = arith.constant true
        %not3A_305 = arith.xori %eq3A_158, %not3A_304 : i1
        %and3A_306 = arith.andi %or3A_303, %not3A_305 : i1
        %convert_element_type3A_307 = arith.extui %and3A_306 : i1 to i32
        %cond3A_308 = arith.constant 0 : i32
        %cond3A_309 = arith.cmpi ne, %convert_element_type3A_307, %cond3A_308 : i32
        scf.if %cond3A_309 {
        } else {
        }
        %and3A_310 = arith.constant false
        %and3A_311 = arith.andi %and3A_306, %and3A_310 : i1
        %ne3A_312 = arith.cmpi ne, %add3A_161, %add3A_170 : i32
        %or3A_313 = arith.constant false
        %or3A_314 = arith.ori %or3A_313, %ne3A_312 : i1
        %or3A_315 = arith.constant false
        %or3A_316 = arith.ori %or3A_314, %or3A_315 : i1
        %not3A_317 = arith.constant true
        %not3A_318 = arith.xori %eq3A_158, %not3A_317 : i1
        %and3A_319 = arith.andi %or3A_316, %not3A_318 : i1
        %convert_element_type3A_320 = arith.extui %and3A_319 : i1 to i32
        %cond3A_321 = arith.constant 0 : i32
        %cond3A_322 = arith.cmpi ne, %convert_element_type3A_320, %cond3A_321 : i32
        scf.if %cond3A_322 {
        } else {
        }
        %and3A_323 = arith.constant false
        %and3A_324 = arith.andi %and3A_319, %and3A_323 : i1
        %ne3A_325 = arith.cmpi ne, %add3A_161, %add3A_170 : i32
        %or3A_326 = arith.constant false
        %or3A_327 = arith.ori %or3A_326, %ne3A_325 : i1
        %or3A_328 = arith.constant false
        %or3A_329 = arith.ori %or3A_327, %or3A_328 : i1
        %not3A_330 = arith.constant true
        %not3A_331 = arith.xori %eq3A_158, %not3A_330 : i1
        %and3A_332 = arith.andi %or3A_329, %not3A_331 : i1
        %convert_element_type3A_333 = arith.extui %and3A_332 : i1 to i32
        %cond3A_334 = arith.constant 0 : i32
        %cond3A_335 = arith.cmpi ne, %convert_element_type3A_333, %cond3A_334 : i32
        scf.if %cond3A_335 {
          "tpu.trace_start"() <{level = 10 : i32, message = "ep_wait_out"}> : () -> ()
          %rem3A_367 = arith.constant 2 : i32
          %rem3A_368 = arith.remui %scan3A_155, %rem3A_367 : i32
          %mul3A_369 = arith.constant 64 : i32
          %mul3A_370 = arith.muli %mul3A_369, %add3A_170 : i32
          %dma_wait3A_371 = arith.constant 0 : i32
          %dma_wait3A_372 = arith.constant 0 : i32
          %dma_wait3A_373 = tpu.memref_slice %run_scoped3A_10[%rem3A_368, %dma_wait3A_371, %dma_wait3A_372] : memref<2x64x256xf32, #tpu.memory_space<vmem>> -> memref<1x64x256xf32, #tpu.memory_space<vmem>>
          %dma_wait3A_374 = tpu.memref_squeeze %dma_wait3A_373 : memref<1x64x256xf32, #tpu.memory_space<vmem>> -> memref<64x256xf32, #tpu.memory_space<vmem>>
          %dma_wait3A_375 = arith.constant 0 : i32
          %dma_wait3A_376 = tpu.memref_slice %arg5[%mul3A_370, %dma_wait3A_375] : memref<65536x256xf32, #tpu.memory_space<hbm>> -> memref<64x256xf32, #tpu.memory_space<hbm>>
          %dma_wait3A_377 = tpu.memref_slice %run_scoped3A_11[%rem3A_368] : memref<2x!tpu.dma_semaphore, #tpu.memory_space<semaphore_mem>> -> memref<1x!tpu.dma_semaphore, #tpu.memory_space<semaphore_mem>>
          %dma_wait3A_378 = tpu.memref_squeeze %dma_wait3A_377 : memref<1x!tpu.dma_semaphore, #tpu.memory_space<semaphore_mem>> -> memref<!tpu.dma_semaphore, #tpu.memory_space<semaphore_mem>>
          %dma_wait3A_379 = arith.constant 0 : i32
          %dma_wait3A_380 = tpu.memref_slice %arg5[%mul3A_370, %dma_wait3A_379] : memref<65536x256xf32, #tpu.memory_space<hbm>> -> memref<64x256xf32, #tpu.memory_space<hbm>>
          %dma_wait3A_381 = arith.constant 0 : i32
          %dma_wait3A_382 = arith.constant 0 : i32
          %dma_wait3A_383 = tpu.memref_slice %run_scoped3A_10[%rem3A_368, %dma_wait3A_381, %dma_wait3A_382] : memref<2x64x256xf32, #tpu.memory_space<vmem>> -> memref<1x64x256xf32, #tpu.memory_space<vmem>>
          %dma_wait3A_384 = tpu.memref_squeeze %dma_wait3A_383 : memref<1x64x256xf32, #tpu.memory_space<vmem>> -> memref<64x256xf32, #tpu.memory_space<vmem>>
          tpu.wait_dma2 semaphore(%dma_wait3A_378 : memref<!tpu.dma_semaphore, #tpu.memory_space<semaphore_mem>>) src(%dma_wait3A_384 : memref<64x256xf32, #tpu.memory_space<vmem>>) dst(%dma_wait3A_380 : memref<64x256xf32, #tpu.memory_space<hbm>>)
          "tpu.trace_stop"() : () -> ()
        } else {
        }
        %and3A_336 = arith.constant true
        %and3A_337 = arith.andi %and3A_332, %and3A_336 : i1
        %add3A_338 = arith.constant 1 : i32
        %add3A_339 = arith.addi %scan3A_155, %add3A_338 : i32
        %select_n3A_340 = arith.select %and3A_337, %add3A_339, %scan3A_155 : i32
        %ne3A_341 = arith.cmpi ne, %add3A_161, %add3A_179 : i32
        %or3A_342 = arith.constant false
        %or3A_343 = arith.ori %or3A_342, %ne3A_341 : i1
        %or3A_344 = arith.constant false
        %or3A_345 = arith.ori %or3A_343, %or3A_344 : i1
        %or3A_346 = arith.ori %or3A_345, %eq3A_160 : i1
        %add3A_347 = arith.constant 1 : i32
        %add3A_348 = arith.addi %scan3A_151, %add3A_347 : i32
        %select_n3A_349 = arith.select %or3A_346, %add3A_348, %scan3A_151 : i32
        %ne3A_350 = arith.cmpi ne, %add3A_161, %add3A_179 : i32
        %or3A_351 = arith.constant false
        %or3A_352 = arith.ori %or3A_351, %ne3A_350 : i1
        %or3A_353 = arith.constant false
        %or3A_354 = arith.ori %or3A_352, %or3A_353 : i1
        %or3A_355 = arith.ori %or3A_354, %eq3A_160 : i1
        %add3A_356 = arith.constant 1 : i32
        %add3A_357 = arith.addi %scan3A_153, %add3A_356 : i32
        %select_n3A_358 = arith.select %or3A_355, %add3A_357, %scan3A_153 : i32
        %add3A_359 = arith.constant 1 : i32
        %add3A_360 = arith.addi %scan3A_156, %add3A_359 : i32
        %select_n3A_361 = arith.constant true
        %select_n3A_362 = arith.select %select_n3A_361, %add3A_360, %scan3A_156 : i32
        %eq3A_363 = arith.constant 32 : i32
        %eq3A_364 = arith.cmpi eq, %select_n3A_362, %eq3A_363 : i32
        %select_n3A_365 = arith.constant 0 : i32
        %select_n3A_366 = arith.select %eq3A_364, %select_n3A_365, %select_n3A_362 : i32
        scf.yield %select_n3A_199, %select_n3A_349, %select_n3A_217, %select_n3A_358, %select_n3A_298, %select_n3A_340, %select_n3A_366 : i32, i32, i32, i32, i32, i32, i32
      }
      %scan3A_96 = arith.constant 32 : i32
      %sub3A = arith.constant 1 : i32
      %sub3A_97 = arith.subi %scan3A_95#6, %sub3A : i32
      %select_n3A_98 = arith.constant true
      %select_n3A_99 = arith.select %select_n3A_98, %sub3A_97, %scan3A_95#6 : i32
      %eq3A_100 = arith.constant -1 : i32
      %eq3A_101 = arith.cmpi eq, %select_n3A_99, %eq3A_100 : i32
      %select_n3A_102 = arith.constant 31 : i32
      %select_n3A_103 = arith.select %eq3A_101, %select_n3A_102, %select_n3A_99 : i32
      %add3A_104 = arith.addi %select_n3A_103, %mul3A_6 : i32
      %sub3A_105 = arith.constant 1 : i32
      %sub3A_106 = arith.subi %select_n3A_103, %sub3A_105 : i32
      %select_n3A_107 = arith.constant true
      %select_n3A_108 = arith.select %select_n3A_107, %sub3A_106, %select_n3A_103 : i32
      %eq3A_109 = arith.constant -1 : i32
      %eq3A_110 = arith.cmpi eq, %select_n3A_108, %eq3A_109 : i32
      %select_n3A_111 = arith.constant 31 : i32
      %select_n3A_112 = arith.select %eq3A_110, %select_n3A_111, %select_n3A_108 : i32
      %add3A_113 = arith.addi %select_n3A_112, %mul3A_6 : i32
      %add3A_114 = arith.constant 1 : i32
      %add3A_115 = arith.addi %select_n3A_103, %add3A_114 : i32
      %select_n3A_116 = arith.constant true
      %select_n3A_117 = arith.select %select_n3A_116, %add3A_115, %select_n3A_103 : i32
      %eq3A_118 = arith.constant 32 : i32
      %eq3A_119 = arith.cmpi eq, %select_n3A_117, %eq3A_118 : i32
      %select_n3A_120 = arith.constant 0 : i32
      %select_n3A_121 = arith.select %eq3A_119, %select_n3A_120, %select_n3A_117 : i32
      %add3A_122 = arith.addi %select_n3A_121, %mul3A_6 : i32
      %add3A_123 = arith.constant 1 : i32
      %add3A_124 = arith.addi %select_n3A_121, %add3A_123 : i32
      %select_n3A_125 = arith.constant true
      %select_n3A_126 = arith.select %select_n3A_125, %add3A_124, %select_n3A_121 : i32
      %eq3A_127 = arith.constant 32 : i32
      %eq3A_128 = arith.cmpi eq, %select_n3A_126, %eq3A_127 : i32
      %select_n3A_129 = arith.constant 0 : i32
      %select_n3A_130 = arith.select %eq3A_128, %select_n3A_129, %select_n3A_126 : i32
      %add3A_131 = arith.addi %select_n3A_130, %mul3A_6 : i32
      "tpu.trace_start"() <{level = 10 : i32, message = "ep_finalize"}> : () -> ()
      %rem3A_132 = arith.constant 2 : i32
      %rem3A_133 = arith.remui %scan3A_95#5, %rem3A_132 : i32
      %mul3A_134 = arith.constant 64 : i32
      %mul3A_135 = arith.muli %mul3A_134, %add3A_104 : i32
      %dma_wait3A = arith.constant 0 : i32
      %dma_wait3A_136 = arith.constant 0 : i32
      %dma_wait3A_137 = tpu.memref_slice %run_scoped3A_10[%rem3A_133, %dma_wait3A, %dma_wait3A_136] : memref<2x64x256xf32, #tpu.memory_space<vmem>> -> memref<1x64x256xf32, #tpu.memory_space<vmem>>
      %dma_wait3A_138 = tpu.memref_squeeze %dma_wait3A_137 : memref<1x64x256xf32, #tpu.memory_space<vmem>> -> memref<64x256xf32, #tpu.memory_space<vmem>>
      %dma_wait3A_139 = arith.constant 0 : i32
      %dma_wait3A_140 = tpu.memref_slice %arg5[%mul3A_135, %dma_wait3A_139] : memref<65536x256xf32, #tpu.memory_space<hbm>> -> memref<64x256xf32, #tpu.memory_space<hbm>>
      %dma_wait3A_141 = tpu.memref_slice %run_scoped3A_11[%rem3A_133] : memref<2x!tpu.dma_semaphore, #tpu.memory_space<semaphore_mem>> -> memref<1x!tpu.dma_semaphore, #tpu.memory_space<semaphore_mem>>
      %dma_wait3A_142 = tpu.memref_squeeze %dma_wait3A_141 : memref<1x!tpu.dma_semaphore, #tpu.memory_space<semaphore_mem>> -> memref<!tpu.dma_semaphore, #tpu.memory_space<semaphore_mem>>
      %dma_wait3A_143 = arith.constant 0 : i32
      %dma_wait3A_144 = tpu.memref_slice %arg5[%mul3A_135, %dma_wait3A_143] : memref<65536x256xf32, #tpu.memory_space<hbm>> -> memref<64x256xf32, #tpu.memory_space<hbm>>
      %dma_wait3A_145 = arith.constant 0 : i32
      %dma_wait3A_146 = arith.constant 0 : i32
      %dma_wait3A_147 = tpu.memref_slice %run_scoped3A_10[%rem3A_133, %dma_wait3A_145, %dma_wait3A_146] : memref<2x64x256xf32, #tpu.memory_space<vmem>> -> memref<1x64x256xf32, #tpu.memory_space<vmem>>
      %dma_wait3A_148 = tpu.memref_squeeze %dma_wait3A_147 : memref<1x64x256xf32, #tpu.memory_space<vmem>> -> memref<64x256xf32, #tpu.memory_space<vmem>>
      tpu.wait_dma2 semaphore(%dma_wait3A_142 : memref<!tpu.dma_semaphore, #tpu.memory_space<semaphore_mem>>) src(%dma_wait3A_148 : memref<64x256xf32, #tpu.memory_space<vmem>>) dst(%dma_wait3A_144 : memref<64x256xf32, #tpu.memory_space<hbm>>)
      "tpu.trace_stop"() : () -> ()
      tpu.yield
    }) : () -> ()
    return
  }
}

#map = affine_map<(d0, d1) -> (0)>
#map1 = affine_map<(d0, d1) -> (0, 0)>
module attributes {stable_mosaic.version = 14 : i64} {
  func.func @sc_kernel(%arg0: i32, %arg1: i32, %arg2: memref<256xi32, #tpu.memory_space<hbm>>, %arg3: memref<65536x256xi32, #tpu.memory_space<hbm>>, %arg4: memref<65536x256xf32, #tpu.memory_space<hbm>>, %arg5: memref<32x128xf32, #tpu.memory_space<hbm>>, %arg6: memref<256xi32, #tpu.memory_space<vmem>>, %arg7: memref<128xf32, #tpu.memory_space<vmem>>) attributes {dimension_semantics = [#tpu.dimension_semantics<core_parallel>, #tpu.dimension_semantics<subcore_parallel>], iteration_bounds = array<i64: 2, 16>, scalar_prefetch = 0 : i64, scratch_operands = 2 : i64, tpu.core_type = #tpu.core_type<sc_vector_subcore>, window_params = [{transform_indices = #map}, {transform_indices = #map1}, {transform_indices = #map1}, {transform_indices = #map1}]} {
    "tpu.region"() ({
      %run_scoped3A = tpu.sem_alloc : memref<!tpu.dma_semaphore, #tpu.memory_space<semaphore_mem>>
      tpu.enqueue_dma source(%arg2 : memref<256xi32, #tpu.memory_space<hbm>>) target(%arg6 : memref<256xi32, #tpu.memory_space<vmem>>) target_semaphore(%run_scoped3A : memref<!tpu.dma_semaphore, #tpu.memory_space<semaphore_mem>>)
      tpu.wait_dma2 semaphore(%run_scoped3A : memref<!tpu.dma_semaphore, #tpu.memory_space<semaphore_mem>>) src(%arg2 : memref<256xi32, #tpu.memory_space<hbm>>) dst(%arg6 : memref<256xi32, #tpu.memory_space<vmem>>)
      tpu.yield
    }) : () -> ()
    %broadcast_in_dim3A = arith.constant 0x7F800000 : f32
    %broadcast_in_dim3A_0 = vector.broadcast %broadcast_in_dim3A : f32 to vector<16xf32>
    %swap3A = arith.constant 0 : index
    %swap3A_1 = tpu.vector_load %arg7[%swap3A] {strides = array<i32>} : memref<128xf32, #tpu.memory_space<vmem>>, vector<16xf32>,
    tpu.vector_store %arg7[%swap3A], %broadcast_in_dim3A_0 {strides = array<i32>} : memref<128xf32, #tpu.memory_space<vmem>>, vector<16xf32>,
    %broadcast_in_dim3A_2 = arith.constant 0x7F800000 : f32
    %broadcast_in_dim3A_3 = vector.broadcast %broadcast_in_dim3A_2 : f32 to vector<16xf32>
    %swap3A_4 = arith.constant 16 : index
    %swap3A_5 = tpu.vector_load %arg7[%swap3A_4] {strides = array<i32>} : memref<128xf32, #tpu.memory_space<vmem>>, vector<16xf32>,
    tpu.vector_store %arg7[%swap3A_4], %broadcast_in_dim3A_3 {strides = array<i32>} : memref<128xf32, #tpu.memory_space<vmem>>, vector<16xf32>,
    %broadcast_in_dim3A_6 = arith.constant 0x7F800000 : f32
    %broadcast_in_dim3A_7 = vector.broadcast %broadcast_in_dim3A_6 : f32 to vector<16xf32>
    %swap3A_8 = arith.constant 32 : index
    %swap3A_9 = tpu.vector_load %arg7[%swap3A_8] {strides = array<i32>} : memref<128xf32, #tpu.memory_space<vmem>>, vector<16xf32>,
    tpu.vector_store %arg7[%swap3A_8], %broadcast_in_dim3A_7 {strides = array<i32>} : memref<128xf32, #tpu.memory_space<vmem>>, vector<16xf32>,
    %broadcast_in_dim3A_10 = arith.constant 0x7F800000 : f32
    %broadcast_in_dim3A_11 = vector.broadcast %broadcast_in_dim3A_10 : f32 to vector<16xf32>
    %swap3A_12 = arith.constant 48 : index
    %swap3A_13 = tpu.vector_load %arg7[%swap3A_12] {strides = array<i32>} : memref<128xf32, #tpu.memory_space<vmem>>, vector<16xf32>,
    tpu.vector_store %arg7[%swap3A_12], %broadcast_in_dim3A_11 {strides = array<i32>} : memref<128xf32, #tpu.memory_space<vmem>>, vector<16xf32>,
    %broadcast_in_dim3A_14 = arith.constant 0x7F800000 : f32
    %broadcast_in_dim3A_15 = vector.broadcast %broadcast_in_dim3A_14 : f32 to vector<16xf32>
    %swap3A_16 = arith.constant 64 : index
    %swap3A_17 = tpu.vector_load %arg7[%swap3A_16] {strides = array<i32>} : memref<128xf32, #tpu.memory_space<vmem>>, vector<16xf32>,
    tpu.vector_store %arg7[%swap3A_16], %broadcast_in_dim3A_15 {strides = array<i32>} : memref<128xf32, #tpu.memory_space<vmem>>, vector<16xf32>,
    %broadcast_in_dim3A_18 = arith.constant 0x7F800000 : f32
    %broadcast_in_dim3A_19 = vector.broadcast %broadcast_in_dim3A_18 : f32 to vector<16xf32>
    %swap3A_20 = arith.constant 80 : index
    %swap3A_21 = tpu.vector_load %arg7[%swap3A_20] {strides = array<i32>} : memref<128xf32, #tpu.memory_space<vmem>>, vector<16xf32>,
    tpu.vector_store %arg7[%swap3A_20], %broadcast_in_dim3A_19 {strides = array<i32>} : memref<128xf32, #tpu.memory_space<vmem>>, vector<16xf32>,
    %broadcast_in_dim3A_22 = arith.constant 0x7F800000 : f32
    %broadcast_in_dim3A_23 = vector.broadcast %broadcast_in_dim3A_22 : f32 to vector<16xf32>
    %swap3A_24 = arith.constant 96 : index
    %swap3A_25 = tpu.vector_load %arg7[%swap3A_24] {strides = array<i32>} : memref<128xf32, #tpu.memory_space<vmem>>, vector<16xf32>,
    tpu.vector_store %arg7[%swap3A_24], %broadcast_in_dim3A_23 {strides = array<i32>} : memref<128xf32, #tpu.memory_space<vmem>>, vector<16xf32>,
    %broadcast_in_dim3A_26 = arith.constant 0x7F800000 : f32
    %broadcast_in_dim3A_27 = vector.broadcast %broadcast_in_dim3A_26 : f32 to vector<16xf32>
    %swap3A_28 = arith.constant 112 : index
    %swap3A_29 = tpu.vector_load %arg7[%swap3A_28] {strides = array<i32>} : memref<128xf32, #tpu.memory_space<vmem>>, vector<16xf32>,
    tpu.vector_store %arg7[%swap3A_28], %broadcast_in_dim3A_27 {strides = array<i32>} : memref<128xf32, #tpu.memory_space<vmem>>, vector<16xf32>,
    %neg3A = arith.constant 0.000000e+00 : f32
    %neg3A_30 = arith.constant 0x7F800000 : f32
    %neg3A_31 = arith.subf %neg3A, %neg3A_30 : f32
    %broadcast_in_dim3A_32 = vector.broadcast %neg3A_31 : f32 to vector<16xf32>
    %swap3A_33 = arith.constant 16 : index
    %swap3A_34 = tpu.vector_load %arg7[%swap3A_33] {strides = array<i32>} : memref<128xf32, #tpu.memory_space<vmem>>, vector<16xf32>,
    tpu.vector_store %arg7[%swap3A_33], %broadcast_in_dim3A_32 {strides = array<i32>} : memref<128xf32, #tpu.memory_space<vmem>>, vector<16xf32>,
    %mul3A = arith.constant 1 : i32
    %mul3A_35 = arith.muli %arg1, %mul3A : i32
    %add3A = arith.constant 0 : i32
    %add3A_36 = arith.addi %add3A, %mul3A_35 : i32
    %mul3A_37 = arith.constant 16 : i32
    %mul3A_38 = arith.muli %arg0, %mul3A_37 : i32
    %add3A_39 = arith.addi %add3A_36, %mul3A_38 : i32
    %mul3A_40 = arith.constant 32 : i32
    %mul3A_41 = arith.muli %add3A_39, %mul3A_40 : i32
    "tpu.region"() ({
      %run_scoped3A = memref.alloca() : memref<2x64x256xi32, #tpu.memory_space<vmem>>
      %run_scoped3A_45 = tpu.sem_alloc : memref<2x!tpu.dma_semaphore, #tpu.memory_space<semaphore_mem>>
      %run_scoped3A_46 = memref.alloca() : memref<2x64x256xf32, #tpu.memory_space<vmem>>
      %run_scoped3A_47 = tpu.sem_alloc : memref<2x!tpu.dma_semaphore, #tpu.memory_space<semaphore_mem>>
      %add3A_48 = arith.constant 0 : i32
      %add3A_49 = arith.addi %add3A_48, %mul3A_41 : i32
      %select_n3A = arith.constant true
      %select_n3A_50 = arith.constant 0 : i32
      %select_n3A_51 = arith.constant -1 : i32
      %select_n3A_52 = arith.select %select_n3A, %select_n3A_51, %select_n3A_50 : i32
      %eq3A = arith.constant -1 : i32
      %eq3A_53 = arith.cmpi eq, %select_n3A_52, %eq3A : i32
      %select_n3A_54 = arith.constant 31 : i32
      %select_n3A_55 = arith.select %eq3A_53, %select_n3A_54, %select_n3A_52 : i32
      %add3A_56 = arith.addi %select_n3A_55, %mul3A_41 : i32
      %select_n3A_57 = arith.constant true
      %select_n3A_58 = arith.constant 0 : i32
      %select_n3A_59 = arith.constant 1 : i32
      %select_n3A_60 = arith.select %select_n3A_57, %select_n3A_59, %select_n3A_58 : i32
      %eq3A_61 = arith.constant 32 : i32
      %eq3A_62 = arith.cmpi eq, %select_n3A_60, %eq3A_61 : i32
      %select_n3A_63 = arith.constant 0 : i32
      %select_n3A_64 = arith.select %eq3A_62, %select_n3A_63, %select_n3A_60 : i32
      %add3A_65 = arith.addi %select_n3A_64, %mul3A_41 : i32
      %add3A_66 = arith.constant 1 : i32
      %add3A_67 = arith.addi %select_n3A_64, %add3A_66 : i32
      %select_n3A_68 = arith.constant true
      %select_n3A_69 = arith.select %select_n3A_68, %add3A_67, %select_n3A_64 : i32
      %eq3A_70 = arith.constant 32 : i32
      %eq3A_71 = arith.cmpi eq, %select_n3A_69, %eq3A_70 : i32
      %select_n3A_72 = arith.constant 0 : i32
      %select_n3A_73 = arith.select %eq3A_71, %select_n3A_72, %select_n3A_69 : i32
      %add3A_74 = arith.addi %select_n3A_73, %mul3A_41 : i32
      "tpu.trace_start"() <{level = 10 : i32, message = "ep_initialize_0"}> : () -> ()
      %rem3A = arith.constant 0 : i32
      %rem3A_75 = arith.constant 2 : i32
      %rem3A_76 = arith.remui %rem3A, %rem3A_75 : i32
      %mul3A_77 = arith.constant 64 : i32
      %mul3A_78 = arith.muli %mul3A_77, %add3A_49 : i32
      %dma_start3A = arith.constant 0 : i32
      %dma_start3A_79 = arith.constant 0 : i32
      %dma_start3A_80 = tpu.memref_slice %run_scoped3A[%rem3A_76, %dma_start3A, %dma_start3A_79] : memref<2x64x256xi32, #tpu.memory_space<vmem>> -> memref<1x64x256xi32, #tpu.memory_space<vmem>>
      %dma_start3A_81 = tpu.memref_squeeze %dma_start3A_80 : memref<1x64x256xi32, #tpu.memory_space<vmem>> -> memref<64x256xi32, #tpu.memory_space<vmem>>
      %dma_start3A_82 = arith.constant 0 : i32
      %dma_start3A_83 = tpu.memref_slice %arg3[%mul3A_78, %dma_start3A_82] : memref<65536x256xi32, #tpu.memory_space<hbm>> -> memref<64x256xi32, #tpu.memory_space<hbm>>
      %dma_start3A_84 = tpu.memref_slice %run_scoped3A_45[%rem3A_76] : memref<2x!tpu.dma_semaphore, #tpu.memory_space<semaphore_mem>> -> memref<1x!tpu.dma_semaphore, #tpu.memory_space<semaphore_mem>>
      %dma_start3A_85 = tpu.memref_squeeze %dma_start3A_84 : memref<1x!tpu.dma_semaphore, #tpu.memory_space<semaphore_mem>> -> memref<!tpu.dma_semaphore, #tpu.memory_space<semaphore_mem>>
      %dma_start3A_86 = arith.constant 0 : i32
      %dma_start3A_87 = arith.constant 0 : i32
      %dma_start3A_88 = tpu.memref_slice %run_scoped3A[%rem3A_76, %dma_start3A_86, %dma_start3A_87] : memref<2x64x256xi32, #tpu.memory_space<vmem>> -> memref<1x64x256xi32, #tpu.memory_space<vmem>>
      %dma_start3A_89 = tpu.memref_squeeze %dma_start3A_88 : memref<1x64x256xi32, #tpu.memory_space<vmem>> -> memref<64x256xi32, #tpu.memory_space<vmem>>
      %dma_start3A_90 = arith.constant 0 : i32
      %dma_start3A_91 = tpu.memref_slice %arg3[%mul3A_78, %dma_start3A_90] : memref<65536x256xi32, #tpu.memory_space<hbm>> -> memref<64x256xi32, #tpu.memory_space<hbm>>
      tpu.enqueue_dma source(%dma_start3A_91 : memref<64x256xi32, #tpu.memory_space<hbm>>) target(%dma_start3A_89 : memref<64x256xi32, #tpu.memory_space<vmem>>) target_semaphore(%dma_start3A_85 : memref<!tpu.dma_semaphore, #tpu.memory_space<semaphore_mem>>)
      %add3A_92 = arith.constant 0 : i32
      %add3A_93 = arith.constant 1 : i32
      %add3A_94 = arith.addi %add3A_92, %add3A_93 : i32
      %select_n3A_95 = arith.constant true
      %select_n3A_96 = arith.constant 0 : i32
      %select_n3A_97 = arith.select %select_n3A_95, %add3A_94, %select_n3A_96 : i32
      %rem3A_98 = arith.constant 0 : i32
      %rem3A_99 = arith.constant 2 : i32
      %rem3A_100 = arith.remui %rem3A_98, %rem3A_99 : i32
      %mul3A_101 = arith.constant 64 : i32
      %mul3A_102 = arith.muli %mul3A_101, %add3A_49 : i32
      %dma_start3A_103 = arith.constant 0 : i32
      %dma_start3A_104 = arith.constant 0 : i32
      %dma_start3A_105 = tpu.memref_slice %run_scoped3A_46[%rem3A_100, %dma_start3A_103, %dma_start3A_104] : memref<2x64x256xf32, #tpu.memory_space<vmem>> -> memref<1x64x256xf32, #tpu.memory_space<vmem>>
      %dma_start3A_106 = tpu.memref_squeeze %dma_start3A_105 : memref<1x64x256xf32, #tpu.memory_space<vmem>> -> memref<64x256xf32, #tpu.memory_space<vmem>>
      %dma_start3A_107 = arith.constant 0 : i32
      %dma_start3A_108 = tpu.memref_slice %arg4[%mul3A_102, %dma_start3A_107] : memref<65536x256xf32, #tpu.memory_space<hbm>> -> memref<64x256xf32, #tpu.memory_space<hbm>>
      %dma_start3A_109 = tpu.memref_slice %run_scoped3A_47[%rem3A_100] : memref<2x!tpu.dma_semaphore, #tpu.memory_space<semaphore_mem>> -> memref<1x!tpu.dma_semaphore, #tpu.memory_space<semaphore_mem>>
      %dma_start3A_110 = tpu.memref_squeeze %dma_start3A_109 : memref<1x!tpu.dma_semaphore, #tpu.memory_space<semaphore_mem>> -> memref<!tpu.dma_semaphore, #tpu.memory_space<semaphore_mem>>
      %dma_start3A_111 = arith.constant 0 : i32
      %dma_start3A_112 = arith.constant 0 : i32
      %dma_start3A_113 = tpu.memref_slice %run_scoped3A_46[%rem3A_100, %dma_start3A_111, %dma_start3A_112] : memref<2x64x256xf32, #tpu.memory_space<vmem>> -> memref<1x64x256xf32, #tpu.memory_space<vmem>>
      %dma_start3A_114 = tpu.memref_squeeze %dma_start3A_113 : memref<1x64x256xf32, #tpu.memory_space<vmem>> -> memref<64x256xf32, #tpu.memory_space<vmem>>
      %dma_start3A_115 = arith.constant 0 : i32
      %dma_start3A_116 = tpu.memref_slice %arg4[%mul3A_102, %dma_start3A_115] : memref<65536x256xf32, #tpu.memory_space<hbm>> -> memref<64x256xf32, #tpu.memory_space<hbm>>
      tpu.enqueue_dma source(%dma_start3A_116 : memref<64x256xf32, #tpu.memory_space<hbm>>) target(%dma_start3A_114 : memref<64x256xf32, #tpu.memory_space<vmem>>) target_semaphore(%dma_start3A_110 : memref<!tpu.dma_semaphore, #tpu.memory_space<semaphore_mem>>)
      %add3A_117 = arith.constant 0 : i32
      %add3A_118 = arith.constant 1 : i32
      %add3A_119 = arith.addi %add3A_117, %add3A_118 : i32
      %select_n3A_120 = arith.constant true
      %select_n3A_121 = arith.constant 0 : i32
      %select_n3A_122 = arith.select %select_n3A_120, %add3A_119, %select_n3A_121 : i32
      "tpu.trace_stop"() : () -> ()
      %scan3A = arith.constant 0 : i32
      %scan3A_123 = arith.constant 0 : i32
      %scan3A_124 = arith.constant 0 : i32
      %scan3A_125 = arith.constant 0 : i32
      %scan3A_126 = arith.constant 32 : i32
      %scan3A_127 = arith.addi %scan3A_125, %scan3A_126 : i32
      %scan3A_128 = arith.constant 1 : i32
      %scan3A_129:5 = scf.for %scan3A_166 = %scan3A_125 to %scan3A_127 step %scan3A_128 iter_args(%scan3A_167 = %select_n3A_97, %scan3A_168 = %scan3A, %scan3A_169 = %select_n3A_122, %scan3A_170 = %scan3A_123, %scan3A_171 = %scan3A_124) -> (i32, i32, i32, i32, i32)  : i32 {
        %eq3A_172 = arith.constant 0 : i32
        %eq3A_173 = arith.cmpi eq, %scan3A_166, %eq3A_172 : i32
        %eq3A_174 = arith.constant 31 : i32
        %eq3A_175 = arith.cmpi eq, %scan3A_166, %eq3A_174 : i32
        %add3A_176 = arith.addi %scan3A_171, %mul3A_41 : i32
        %sub3A_177 = arith.constant 1 : i32
        %sub3A_178 = arith.subi %scan3A_171, %sub3A_177 : i32
        %select_n3A_179 = arith.constant true
        %select_n3A_180 = arith.select %select_n3A_179, %sub3A_178, %scan3A_171 : i32
        %eq3A_181 = arith.constant -1 : i32
        %eq3A_182 = arith.cmpi eq, %select_n3A_180, %eq3A_181 : i32
        %select_n3A_183 = arith.constant 31 : i32
        %select_n3A_184 = arith.select %eq3A_182, %select_n3A_183, %select_n3A_180 : i32
        %add3A_185 = arith.addi %select_n3A_184, %mul3A_41 : i32
        %add3A_186 = arith.constant 1 : i32
        %add3A_187 = arith.addi %scan3A_171, %add3A_186 : i32
        %select_n3A_188 = arith.constant true
        %select_n3A_189 = arith.select %select_n3A_188, %add3A_187, %scan3A_171 : i32
        %eq3A_190 = arith.constant 32 : i32
        %eq3A_191 = arith.cmpi eq, %select_n3A_189, %eq3A_190 : i32
        %select_n3A_192 = arith.constant 0 : i32
        %select_n3A_193 = arith.select %eq3A_191, %select_n3A_192, %select_n3A_189 : i32
        %add3A_194 = arith.addi %select_n3A_193, %mul3A_41 : i32
        %add3A_195 = arith.constant 1 : i32
        %add3A_196 = arith.addi %select_n3A_193, %add3A_195 : i32
        %select_n3A_197 = arith.constant true
        %select_n3A_198 = arith.select %select_n3A_197, %add3A_196, %select_n3A_193 : i32
        %eq3A_199 = arith.constant 32 : i32
        %eq3A_200 = arith.cmpi eq, %select_n3A_198, %eq3A_199 : i32
        %select_n3A_201 = arith.constant 0 : i32
        %select_n3A_202 = arith.select %eq3A_200, %select_n3A_201, %select_n3A_198 : i32
        %add3A_203 = arith.addi %select_n3A_202, %mul3A_41 : i32
        %ne3A = arith.cmpi ne, %add3A_176, %add3A_194 : i32
        %or3A = arith.constant false
        %or3A_204 = arith.ori %or3A, %ne3A : i1
        %or3A_205 = arith.constant false
        %or3A_206 = arith.ori %or3A_204, %or3A_205 : i1
        %ge3A = arith.constant 31 : i32
        %ge3A_207 = arith.cmpi sge, %scan3A_166, %ge3A : i32
        %not3A = arith.constant true
        %not3A_208 = arith.xori %ge3A_207, %not3A : i1
        %and3A = arith.andi %or3A_206, %not3A_208 : i1
        %convert_element_type3A = arith.extui %and3A : i1 to i32
        %cond3A = arith.constant 0 : i32
        %cond3A_209 = arith.cmpi ne, %convert_element_type3A, %cond3A : i32
        scf.if %cond3A_209 {
          "tpu.trace_start"() <{level = 10 : i32, message = "ep_copy_in"}> : () -> ()
          %rem3A_346 = arith.constant 2 : i32
          %rem3A_347 = arith.remui %scan3A_167, %rem3A_346 : i32
          %mul3A_348 = arith.constant 64 : i32
          %mul3A_349 = arith.muli %mul3A_348, %add3A_194 : i32
          %dma_start3A_350 = arith.constant 0 : i32
          %dma_start3A_351 = arith.constant 0 : i32
          %dma_start3A_352 = tpu.memref_slice %run_scoped3A[%rem3A_347, %dma_start3A_350, %dma_start3A_351] : memref<2x64x256xi32, #tpu.memory_space<vmem>> -> memref<1x64x256xi32, #tpu.memory_space<vmem>>
          %dma_start3A_353 = tpu.memref_squeeze %dma_start3A_352 : memref<1x64x256xi32, #tpu.memory_space<vmem>> -> memref<64x256xi32, #tpu.memory_space<vmem>>
          %dma_start3A_354 = arith.constant 0 : i32
          %dma_start3A_355 = tpu.memref_slice %arg3[%mul3A_349, %dma_start3A_354] : memref<65536x256xi32, #tpu.memory_space<hbm>> -> memref<64x256xi32, #tpu.memory_space<hbm>>
          %dma_start3A_356 = tpu.memref_slice %run_scoped3A_45[%rem3A_347] : memref<2x!tpu.dma_semaphore, #tpu.memory_space<semaphore_mem>> -> memref<1x!tpu.dma_semaphore, #tpu.memory_space<semaphore_mem>>
          %dma_start3A_357 = tpu.memref_squeeze %dma_start3A_356 : memref<1x!tpu.dma_semaphore, #tpu.memory_space<semaphore_mem>> -> memref<!tpu.dma_semaphore, #tpu.memory_space<semaphore_mem>>
          %dma_start3A_358 = arith.constant 0 : i32
          %dma_start3A_359 = arith.constant 0 : i32
          %dma_start3A_360 = tpu.memref_slice %run_scoped3A[%rem3A_347, %dma_start3A_358, %dma_start3A_359] : memref<2x64x256xi32, #tpu.memory_space<vmem>> -> memref<1x64x256xi32, #tpu.memory_space<vmem>>
          %dma_start3A_361 = tpu.memref_squeeze %dma_start3A_360 : memref<1x64x256xi32, #tpu.memory_space<vmem>> -> memref<64x256xi32, #tpu.memory_space<vmem>>
          %dma_start3A_362 = arith.constant 0 : i32
          %dma_start3A_363 = tpu.memref_slice %arg3[%mul3A_349, %dma_start3A_362] : memref<65536x256xi32, #tpu.memory_space<hbm>> -> memref<64x256xi32, #tpu.memory_space<hbm>>
          tpu.enqueue_dma source(%dma_start3A_363 : memref<64x256xi32, #tpu.memory_space<hbm>>) target(%dma_start3A_361 : memref<64x256xi32, #tpu.memory_space<vmem>>) target_semaphore(%dma_start3A_357 : memref<!tpu.dma_semaphore, #tpu.memory_space<semaphore_mem>>)
          "tpu.trace_stop"() : () -> ()
        } else {
        }
        %and3A_210 = arith.constant true
        %and3A_211 = arith.andi %and3A, %and3A_210 : i1
        %add3A_212 = arith.constant 1 : i32
        %add3A_213 = arith.addi %scan3A_167, %add3A_212 : i32
        %select_n3A_214 = arith.select %and3A_211, %add3A_213, %scan3A_167 : i32
        %ne3A_215 = arith.cmpi ne, %add3A_176, %add3A_194 : i32
        %or3A_216 = arith.constant false
        %or3A_217 = arith.ori %or3A_216, %ne3A_215 : i1
        %or3A_218 = arith.constant false
        %or3A_219 = arith.ori %or3A_217, %or3A_218 : i1
        %ge3A_220 = arith.constant 31 : i32
        %ge3A_221 = arith.cmpi sge, %scan3A_166, %ge3A_220 : i32
        %not3A_222 = arith.constant true
        %not3A_223 = arith.xori %ge3A_221, %not3A_222 : i1
        %and3A_224 = arith.andi %or3A_219, %not3A_223 : i1
        %convert_element_type3A_225 = arith.extui %and3A_224 : i1 to i32
        %cond3A_226 = arith.constant 0 : i32
        %cond3A_227 = arith.cmpi ne, %convert_element_type3A_225, %cond3A_226 : i32
        scf.if %cond3A_227 {
          "tpu.trace_start"() <{level = 10 : i32, message = "ep_copy_in"}> : () -> ()
          %rem3A_346 = arith.constant 2 : i32
          %rem3A_347 = arith.remui %scan3A_169, %rem3A_346 : i32
          %mul3A_348 = arith.constant 64 : i32
          %mul3A_349 = arith.muli %mul3A_348, %add3A_194 : i32
          %dma_start3A_350 = arith.constant 0 : i32
          %dma_start3A_351 = arith.constant 0 : i32
          %dma_start3A_352 = tpu.memref_slice %run_scoped3A_46[%rem3A_347, %dma_start3A_350, %dma_start3A_351] : memref<2x64x256xf32, #tpu.memory_space<vmem>> -> memref<1x64x256xf32, #tpu.memory_space<vmem>>
          %dma_start3A_353 = tpu.memref_squeeze %dma_start3A_352 : memref<1x64x256xf32, #tpu.memory_space<vmem>> -> memref<64x256xf32, #tpu.memory_space<vmem>>
          %dma_start3A_354 = arith.constant 0 : i32
          %dma_start3A_355 = tpu.memref_slice %arg4[%mul3A_349, %dma_start3A_354] : memref<65536x256xf32, #tpu.memory_space<hbm>> -> memref<64x256xf32, #tpu.memory_space<hbm>>
          %dma_start3A_356 = tpu.memref_slice %run_scoped3A_47[%rem3A_347] : memref<2x!tpu.dma_semaphore, #tpu.memory_space<semaphore_mem>> -> memref<1x!tpu.dma_semaphore, #tpu.memory_space<semaphore_mem>>
          %dma_start3A_357 = tpu.memref_squeeze %dma_start3A_356 : memref<1x!tpu.dma_semaphore, #tpu.memory_space<semaphore_mem>> -> memref<!tpu.dma_semaphore, #tpu.memory_space<semaphore_mem>>
          %dma_start3A_358 = arith.constant 0 : i32
          %dma_start3A_359 = arith.constant 0 : i32
          %dma_start3A_360 = tpu.memref_slice %run_scoped3A_46[%rem3A_347, %dma_start3A_358, %dma_start3A_359] : memref<2x64x256xf32, #tpu.memory_space<vmem>> -> memref<1x64x256xf32, #tpu.memory_space<vmem>>
          %dma_start3A_361 = tpu.memref_squeeze %dma_start3A_360 : memref<1x64x256xf32, #tpu.memory_space<vmem>> -> memref<64x256xf32, #tpu.memory_space<vmem>>
          %dma_start3A_362 = arith.constant 0 : i32
          %dma_start3A_363 = tpu.memref_slice %arg4[%mul3A_349, %dma_start3A_362] : memref<65536x256xf32, #tpu.memory_space<hbm>> -> memref<64x256xf32, #tpu.memory_space<hbm>>
          tpu.enqueue_dma source(%dma_start3A_363 : memref<64x256xf32, #tpu.memory_space<hbm>>) target(%dma_start3A_361 : memref<64x256xf32, #tpu.memory_space<vmem>>) target_semaphore(%dma_start3A_357 : memref<!tpu.dma_semaphore, #tpu.memory_space<semaphore_mem>>)
          "tpu.trace_stop"() : () -> ()
        } else {
        }
        %and3A_228 = arith.constant true
        %and3A_229 = arith.andi %and3A_224, %and3A_228 : i1
        %add3A_230 = arith.constant 1 : i32
        %add3A_231 = arith.addi %scan3A_169, %add3A_230 : i32
        %select_n3A_232 = arith.select %and3A_229, %add3A_231, %scan3A_169 : i32
        %ne3A_233 = arith.cmpi ne, %add3A_176, %add3A_185 : i32
        %or3A_234 = arith.constant false
        %or3A_235 = arith.ori %or3A_234, %ne3A_233 : i1
        %or3A_236 = arith.constant false
        %or3A_237 = arith.ori %or3A_235, %or3A_236 : i1
        %or3A_238 = arith.ori %or3A_237, %eq3A_173 : i1
        %convert_element_type3A_239 = arith.extui %or3A_238 : i1 to i32
        %cond3A_240 = arith.constant 0 : i32
        %cond3A_241 = arith.cmpi ne, %convert_element_type3A_239, %cond3A_240 : i32
        scf.if %cond3A_241 {
          "tpu.trace_start"() <{level = 10 : i32, message = "ep_wait_in"}> : () -> ()
          %mul3A_346 = arith.constant 64 : i32
          %mul3A_347 = arith.muli %mul3A_346, %add3A_176 : i32
          %rem3A_348 = arith.constant 2 : i32
          %rem3A_349 = arith.remui %scan3A_168, %rem3A_348 : i32
          %dma_wait3A = arith.constant 0 : i32
          %dma_wait3A_350 = arith.constant 0 : i32
          %dma_wait3A_351 = tpu.memref_slice %run_scoped3A[%rem3A_349, %dma_wait3A, %dma_wait3A_350] : memref<2x64x256xi32, #tpu.memory_space<vmem>> -> memref<1x64x256xi32, #tpu.memory_space<vmem>>
          %dma_wait3A_352 = tpu.memref_squeeze %dma_wait3A_351 : memref<1x64x256xi32, #tpu.memory_space<vmem>> -> memref<64x256xi32, #tpu.memory_space<vmem>>
          %dma_wait3A_353 = arith.constant 0 : i32
          %dma_wait3A_354 = tpu.memref_slice %arg3[%mul3A_347, %dma_wait3A_353] : memref<65536x256xi32, #tpu.memory_space<hbm>> -> memref<64x256xi32, #tpu.memory_space<hbm>>
          %dma_wait3A_355 = tpu.memref_slice %run_scoped3A_45[%rem3A_349] : memref<2x!tpu.dma_semaphore, #tpu.memory_space<semaphore_mem>> -> memref<1x!tpu.dma_semaphore, #tpu.memory_space<semaphore_mem>>
          %dma_wait3A_356 = tpu.memref_squeeze %dma_wait3A_355 : memref<1x!tpu.dma_semaphore, #tpu.memory_space<semaphore_mem>> -> memref<!tpu.dma_semaphore, #tpu.memory_space<semaphore_mem>>
          %dma_wait3A_357 = arith.constant 0 : i32
          %dma_wait3A_358 = arith.constant 0 : i32
          %dma_wait3A_359 = tpu.memref_slice %run_scoped3A[%rem3A_349, %dma_wait3A_357, %dma_wait3A_358] : memref<2x64x256xi32, #tpu.memory_space<vmem>> -> memref<1x64x256xi32, #tpu.memory_space<vmem>>
          %dma_wait3A_360 = tpu.memref_squeeze %dma_wait3A_359 : memref<1x64x256xi32, #tpu.memory_space<vmem>> -> memref<64x256xi32, #tpu.memory_space<vmem>>
          %dma_wait3A_361 = arith.constant 0 : i32
          %dma_wait3A_362 = tpu.memref_slice %arg3[%mul3A_347, %dma_wait3A_361] : memref<65536x256xi32, #tpu.memory_space<hbm>> -> memref<64x256xi32, #tpu.memory_space<hbm>>
          tpu.wait_dma2 semaphore(%dma_wait3A_356 : memref<!tpu.dma_semaphore, #tpu.memory_space<semaphore_mem>>) src(%dma_wait3A_362 : memref<64x256xi32, #tpu.memory_space<hbm>>) dst(%dma_wait3A_360 : memref<64x256xi32, #tpu.memory_space<vmem>>)
          "tpu.trace_stop"() : () -> ()
        } else {
        }
        %ne3A_242 = arith.cmpi ne, %add3A_176, %add3A_185 : i32
        %or3A_243 = arith.constant false
        %or3A_244 = arith.ori %or3A_243, %ne3A_242 : i1
        %or3A_245 = arith.constant false
        %or3A_246 = arith.ori %or3A_244, %or3A_245 : i1
        %or3A_247 = arith.ori %or3A_246, %eq3A_173 : i1
        %convert_element_type3A_248 = arith.extui %or3A_247 : i1 to i32
        %cond3A_249 = arith.constant 0 : i32
        %cond3A_250 = arith.cmpi ne, %convert_element_type3A_248, %cond3A_249 : i32
        scf.if %cond3A_250 {
          "tpu.trace_start"() <{level = 10 : i32, message = "ep_wait_in"}> : () -> ()
          %mul3A_346 = arith.constant 64 : i32
          %mul3A_347 = arith.muli %mul3A_346, %add3A_176 : i32
          %rem3A_348 = arith.constant 2 : i32
          %rem3A_349 = arith.remui %scan3A_170, %rem3A_348 : i32
          %dma_wait3A = arith.constant 0 : i32
          %dma_wait3A_350 = arith.constant 0 : i32
          %dma_wait3A_351 = tpu.memref_slice %run_scoped3A_46[%rem3A_349, %dma_wait3A, %dma_wait3A_350] : memref<2x64x256xf32, #tpu.memory_space<vmem>> -> memref<1x64x256xf32, #tpu.memory_space<vmem>>
          %dma_wait3A_352 = tpu.memref_squeeze %dma_wait3A_351 : memref<1x64x256xf32, #tpu.memory_space<vmem>> -> memref<64x256xf32, #tpu.memory_space<vmem>>
          %dma_wait3A_353 = arith.constant 0 : i32
          %dma_wait3A_354 = tpu.memref_slice %arg4[%mul3A_347, %dma_wait3A_353] : memref<65536x256xf32, #tpu.memory_space<hbm>> -> memref<64x256xf32, #tpu.memory_space<hbm>>
          %dma_wait3A_355 = tpu.memref_slice %run_scoped3A_47[%rem3A_349] : memref<2x!tpu.dma_semaphore, #tpu.memory_space<semaphore_mem>> -> memref<1x!tpu.dma_semaphore, #tpu.memory_space<semaphore_mem>>
          %dma_wait3A_356 = tpu.memref_squeeze %dma_wait3A_355 : memref<1x!tpu.dma_semaphore, #tpu.memory_space<semaphore_mem>> -> memref<!tpu.dma_semaphore, #tpu.memory_space<semaphore_mem>>
          %dma_wait3A_357 = arith.constant 0 : i32
          %dma_wait3A_358 = arith.constant 0 : i32
          %dma_wait3A_359 = tpu.memref_slice %run_scoped3A_46[%rem3A_349, %dma_wait3A_357, %dma_wait3A_358] : memref<2x64x256xf32, #tpu.memory_space<vmem>> -> memref<1x64x256xf32, #tpu.memory_space<vmem>>
          %dma_wait3A_360 = tpu.memref_squeeze %dma_wait3A_359 : memref<1x64x256xf32, #tpu.memory_space<vmem>> -> memref<64x256xf32, #tpu.memory_space<vmem>>
          %dma_wait3A_361 = arith.constant 0 : i32
          %dma_wait3A_362 = tpu.memref_slice %arg4[%mul3A_347, %dma_wait3A_361] : memref<65536x256xf32, #tpu.memory_space<hbm>> -> memref<64x256xf32, #tpu.memory_space<hbm>>
          tpu.wait_dma2 semaphore(%dma_wait3A_356 : memref<!tpu.dma_semaphore, #tpu.memory_space<semaphore_mem>>) src(%dma_wait3A_362 : memref<64x256xf32, #tpu.memory_space<hbm>>) dst(%dma_wait3A_360 : memref<64x256xf32, #tpu.memory_space<vmem>>)
          "tpu.trace_stop"() : () -> ()
        } else {
        }
        %rem3A_251 = arith.constant 2 : i32
        %rem3A_252 = arith.remui %scan3A_168, %rem3A_251 : i32
        %rem3A_253 = arith.constant 2 : i32
        %rem3A_254 = arith.remui %scan3A_170, %rem3A_253 : i32
        %broadcast_in_dim3A_255 = arith.constant 0x7F800000 : f32
        "tpu.trace_start"() <{level = 10 : i32, message = "ep_run_kernel"}> : () -> ()
        %broadcast_in_dim3A_256 = vector.broadcast %broadcast_in_dim3A_255 : f32 to vector<16xf32>
        %neg3A_257 = arith.constant 0.000000e+00 : f32
        %neg3A_258 = arith.constant 0x7F800000 : f32
        %neg3A_259 = arith.subf %neg3A_257, %neg3A_258 : f32
        %broadcast_in_dim3A_260 = vector.broadcast %neg3A_259 : f32 to vector<16xf32>
        %parallel_loop3A = arith.constant 0 : i32
        %parallel_loop3A_261 = arith.constant 1024 : i32
        %parallel_loop3A_262 = arith.constant 1 : i32
        %parallel_loop3A_263 = arith.constant 0x7F800000 : f32
        %parallel_loop3A_264:2 = scf.for %parallel_loop3A_346 = %parallel_loop3A to %parallel_loop3A_261 step %parallel_loop3A_262 iter_args(%parallel_loop3A_347 = %broadcast_in_dim3A_256, %parallel_loop3A_348 = %broadcast_in_dim3A_260) -> (vector<16xf32>, vector<16xf32>)  : i32 {
          %parallel_loop3A_349 = arith.constant 4 : i32
          %parallel_loop3A_350 = arith.shrsi %parallel_loop3A_346, %parallel_loop3A_349 : i32
          %parallel_loop3A_351 = arith.constant 15 : i32
          %parallel_loop3A_352 = arith.andi %parallel_loop3A_346, %parallel_loop3A_351 : i32
          %parallel_loop3A_353 = arith.constant 16 : i32
          %parallel_loop3A_354 = arith.muli %parallel_loop3A_352, %parallel_loop3A_353 : i32
          %parallel_loop3A_355 = arith.constant 0 : i32
          %parallel_loop3A_356 = arith.constant 0 : i32
          %parallel_loop3A_357 = tpu.memref_slice %run_scoped3A[%rem3A_252, %parallel_loop3A_355, %parallel_loop3A_356] : memref<2x64x256xi32, #tpu.memory_space<vmem>> -> memref<1x64x256xi32, #tpu.memory_space<vmem>>
          %parallel_loop3A_358 = tpu.memref_squeeze %parallel_loop3A_357 : memref<1x64x256xi32, #tpu.memory_space<vmem>> -> memref<64x256xi32, #tpu.memory_space<vmem>>
          %parallel_loop3A_359 = arith.index_cast %parallel_loop3A_350 : i32 to index
          %parallel_loop3A_360 = arith.index_cast %parallel_loop3A_354 : i32 to index
          %parallel_loop3A_361 = tpu.vector_load %parallel_loop3A_358[%parallel_loop3A_359, %parallel_loop3A_360] {strides = array<i32>} : memref<64x256xi32, #tpu.memory_space<vmem>>, vector<16xi32>,
          %parallel_loop3A_362 = tpu.vector_load_idx %arg6[%parallel_loop3A_361] : memref<256xi32, #tpu.memory_space<vmem>>[vector<16xi32>], vector<16xi32>,
          %parallel_loop3A_363 = arith.constant -65536 : i32
          %parallel_loop3A_364 = vector.broadcast %parallel_loop3A_363 : i32 to vector<16xi32>
          %parallel_loop3A_365 = arith.andi %parallel_loop3A_362, %parallel_loop3A_364 : vector<16xi32>
          %parallel_loop3A_366 = tpu.bitcast %parallel_loop3A_365 : vector<16xi32> -> vector<16xf32>
          %parallel_loop3A_367 = arith.constant 16 : i32
          %parallel_loop3A_368 = vector.broadcast %parallel_loop3A_367 : i32 to vector<16xi32>
          %parallel_loop3A_369 = arith.shli %parallel_loop3A_362, %parallel_loop3A_368 : vector<16xi32>
          %parallel_loop3A_370 = tpu.bitcast %parallel_loop3A_369 : vector<16xi32> -> vector<16xf32>
          %parallel_loop3A_371 = arith.constant 0 : i32
          %parallel_loop3A_372 = arith.constant 0 : i32
          %parallel_loop3A_373 = tpu.memref_slice %run_scoped3A_46[%rem3A_254, %parallel_loop3A_371, %parallel_loop3A_372] : memref<2x64x256xf32, #tpu.memory_space<vmem>> -> memref<1x64x256xf32, #tpu.memory_space<vmem>>
          %parallel_loop3A_374 = tpu.memref_squeeze %parallel_loop3A_373 : memref<1x64x256xf32, #tpu.memory_space<vmem>> -> memref<64x256xf32, #tpu.memory_space<vmem>>
          %parallel_loop3A_375 = arith.index_cast %parallel_loop3A_350 : i32 to index
          %parallel_loop3A_376 = arith.index_cast %parallel_loop3A_354 : i32 to index
          %parallel_loop3A_377 = tpu.vector_load %parallel_loop3A_374[%parallel_loop3A_375, %parallel_loop3A_376] {strides = array<i32>} : memref<64x256xf32, #tpu.memory_space<vmem>>, vector<16xf32>,
          %parallel_loop3A_378 = arith.mulf %parallel_loop3A_370, %parallel_loop3A_377 : vector<16xf32>
          %parallel_loop3A_379 = arith.addf %parallel_loop3A_366, %parallel_loop3A_378 : vector<16xf32>
          %parallel_loop3A_380 = arith.minimumf %parallel_loop3A_347, %parallel_loop3A_379 : vector<16xf32>
          %parallel_loop3A_381 = vector.broadcast %parallel_loop3A_263 : f32 to vector<16xf32>
          %parallel_loop3A_382 = arith.cmpf oeq, %parallel_loop3A_379, %parallel_loop3A_381 : vector<16xf32>
          %parallel_loop3A_383 = arith.constant 0.000000e+00 : f32
          %parallel_loop3A_384 = arith.subf %parallel_loop3A_383, %parallel_loop3A_263 : f32
          %parallel_loop3A_385 = vector.broadcast %parallel_loop3A_384 : f32 to vector<16xf32>
          %parallel_loop3A_386 = arith.select %parallel_loop3A_382, %parallel_loop3A_385, %parallel_loop3A_379 : vector<16xi1>, vector<16xf32>
          %parallel_loop3A_387 = arith.maximumf %parallel_loop3A_348, %parallel_loop3A_386 : vector<16xf32>
          scf.yield %parallel_loop3A_380, %parallel_loop3A_387 : vector<16xf32>, vector<16xf32>
        } {sc.loop_unroll_factor = 16 : i64, sc.parallel_access}
        %get3A = arith.constant 0 : index
        %get3A_265 = tpu.vector_load %arg7[%get3A] {strides = array<i32>} : memref<128xf32, #tpu.memory_space<vmem>>, vector<16xf32>,
        %min3A = arith.minimumf %get3A_265, %parallel_loop3A_264#0 : vector<16xf32>
        %swap3A_266 = arith.constant 0 : index
        %swap3A_267 = tpu.vector_load %arg7[%swap3A_266] {strides = array<i32>} : memref<128xf32, #tpu.memory_space<vmem>>, vector<16xf32>,
        tpu.vector_store %arg7[%swap3A_266], %min3A {strides = array<i32>} : memref<128xf32, #tpu.memory_space<vmem>>, vector<16xf32>,
        %get3A_268 = arith.constant 16 : index
        %get3A_269 = tpu.vector_load %arg7[%get3A_268] {strides = array<i32>} : memref<128xf32, #tpu.memory_space<vmem>>, vector<16xf32>,
        %max3A = arith.maximumf %get3A_269, %parallel_loop3A_264#1 : vector<16xf32>
        %swap3A_270 = arith.constant 16 : index
        %swap3A_271 = tpu.vector_load %arg7[%swap3A_270] {strides = array<i32>} : memref<128xf32, #tpu.memory_space<vmem>>, vector<16xf32>,
        tpu.vector_store %arg7[%swap3A_270], %max3A {strides = array<i32>} : memref<128xf32, #tpu.memory_space<vmem>>, vector<16xf32>,
        "tpu.trace_stop"() : () -> ()
        %ne3A_272 = arith.cmpi ne, %add3A_176, %add3A_194 : i32
        %or3A_273 = arith.constant false
        %or3A_274 = arith.ori %or3A_273, %ne3A_272 : i1
        %or3A_275 = arith.constant false
        %or3A_276 = arith.ori %or3A_274, %or3A_275 : i1
        %or3A_277 = arith.ori %or3A_276, %eq3A_175 : i1
        %convert_element_type3A_278 = arith.extui %or3A_277 : i1 to i32
        %cond3A_279 = arith.constant 0 : i32
        %cond3A_280 = arith.cmpi ne, %convert_element_type3A_278, %cond3A_279 : i32
        scf.if %cond3A_280 {
        } else {
        }
        %and3A_281 = arith.constant false
        %and3A_282 = arith.andi %or3A_277, %and3A_281 : i1
        %ne3A_283 = arith.cmpi ne, %add3A_176, %add3A_194 : i32
        %or3A_284 = arith.constant false
        %or3A_285 = arith.ori %or3A_284, %ne3A_283 : i1
        %or3A_286 = arith.constant false
        %or3A_287 = arith.ori %or3A_285, %or3A_286 : i1
        %or3A_288 = arith.ori %or3A_287, %eq3A_175 : i1
        %convert_element_type3A_289 = arith.extui %or3A_288 : i1 to i32
        %cond3A_290 = arith.constant 0 : i32
        %cond3A_291 = arith.cmpi ne, %convert_element_type3A_289, %cond3A_290 : i32
        scf.if %cond3A_291 {
        } else {
        }
        %and3A_292 = arith.constant false
        %and3A_293 = arith.andi %or3A_288, %and3A_292 : i1
        %ne3A_294 = arith.cmpi ne, %add3A_176, %add3A_185 : i32
        %or3A_295 = arith.constant false
        %or3A_296 = arith.ori %or3A_295, %ne3A_294 : i1
        %or3A_297 = arith.constant false
        %or3A_298 = arith.ori %or3A_296, %or3A_297 : i1
        %not3A_299 = arith.constant true
        %not3A_300 = arith.xori %eq3A_173, %not3A_299 : i1
        %and3A_301 = arith.andi %or3A_298, %not3A_300 : i1
        %convert_element_type3A_302 = arith.extui %and3A_301 : i1 to i32
        %cond3A_303 = arith.constant 0 : i32
        %cond3A_304 = arith.cmpi ne, %convert_element_type3A_302, %cond3A_303 : i32
        scf.if %cond3A_304 {
        } else {
        }
        %and3A_305 = arith.constant false
        %and3A_306 = arith.andi %and3A_301, %and3A_305 : i1
        %ne3A_307 = arith.cmpi ne, %add3A_176, %add3A_185 : i32
        %or3A_308 = arith.constant false
        %or3A_309 = arith.ori %or3A_308, %ne3A_307 : i1
        %or3A_310 = arith.constant false
        %or3A_311 = arith.ori %or3A_309, %or3A_310 : i1
        %not3A_312 = arith.constant true
        %not3A_313 = arith.xori %eq3A_173, %not3A_312 : i1
        %and3A_314 = arith.andi %or3A_311, %not3A_313 : i1
        %convert_element_type3A_315 = arith.extui %and3A_314 : i1 to i32
        %cond3A_316 = arith.constant 0 : i32
        %cond3A_317 = arith.cmpi ne, %convert_element_type3A_315, %cond3A_316 : i32
        scf.if %cond3A_317 {
        } else {
        }
        %and3A_318 = arith.constant false
        %and3A_319 = arith.andi %and3A_314, %and3A_318 : i1
        %ne3A_320 = arith.cmpi ne, %add3A_176, %add3A_194 : i32
        %or3A_321 = arith.constant false
        %or3A_322 = arith.ori %or3A_321, %ne3A_320 : i1
        %or3A_323 = arith.constant false
        %or3A_324 = arith.ori %or3A_322, %or3A_323 : i1
        %or3A_325 = arith.ori %or3A_324, %eq3A_175 : i1
        %add3A_326 = arith.constant 1 : i32
        %add3A_327 = arith.addi %scan3A_168, %add3A_326 : i32
        %select_n3A_328 = arith.select %or3A_325, %add3A_327, %scan3A_168 : i32
        %ne3A_329 = arith.cmpi ne, %add3A_176, %add3A_194 : i32
        %or3A_330 = arith.constant false
        %or3A_331 = arith.ori %or3A_330, %ne3A_329 : i1
        %or3A_332 = arith.constant false
        %or3A_333 = arith.ori %or3A_331, %or3A_332 : i1
        %or3A_334 = arith.ori %or3A_333, %eq3A_175 : i1
        %add3A_335 = arith.constant 1 : i32
        %add3A_336 = arith.addi %scan3A_170, %add3A_335 : i32
        %select_n3A_337 = arith.select %or3A_334, %add3A_336, %scan3A_170 : i32
        %add3A_338 = arith.constant 1 : i32
        %add3A_339 = arith.addi %scan3A_171, %add3A_338 : i32
        %select_n3A_340 = arith.constant true
        %select_n3A_341 = arith.select %select_n3A_340, %add3A_339, %scan3A_171 : i32
        %eq3A_342 = arith.constant 32 : i32
        %eq3A_343 = arith.cmpi eq, %select_n3A_341, %eq3A_342 : i32
        %select_n3A_344 = arith.constant 0 : i32
        %select_n3A_345 = arith.select %eq3A_343, %select_n3A_344, %select_n3A_341 : i32
        scf.yield %select_n3A_214, %select_n3A_328, %select_n3A_232, %select_n3A_337, %select_n3A_345 : i32, i32, i32, i32, i32
      }
      %scan3A_130 = arith.constant 32 : i32
      %sub3A = arith.constant 1 : i32
      %sub3A_131 = arith.subi %scan3A_129#4, %sub3A : i32
      %select_n3A_132 = arith.constant true
      %select_n3A_133 = arith.select %select_n3A_132, %sub3A_131, %scan3A_129#4 : i32
      %eq3A_134 = arith.constant -1 : i32
      %eq3A_135 = arith.cmpi eq, %select_n3A_133, %eq3A_134 : i32
      %select_n3A_136 = arith.constant 31 : i32
      %select_n3A_137 = arith.select %eq3A_135, %select_n3A_136, %select_n3A_133 : i32
      %add3A_138 = arith.addi %select_n3A_137, %mul3A_41 : i32
      %sub3A_139 = arith.constant 1 : i32
      %sub3A_140 = arith.subi %select_n3A_137, %sub3A_139 : i32
      %select_n3A_141 = arith.constant true
      %select_n3A_142 = arith.select %select_n3A_141, %sub3A_140, %select_n3A_137 : i32
      %eq3A_143 = arith.constant -1 : i32
      %eq3A_144 = arith.cmpi eq, %select_n3A_142, %eq3A_143 : i32
      %select_n3A_145 = arith.constant 31 : i32
      %select_n3A_146 = arith.select %eq3A_144, %select_n3A_145, %select_n3A_142 : i32
      %add3A_147 = arith.addi %select_n3A_146, %mul3A_41 : i32
      %add3A_148 = arith.constant 1 : i32
      %add3A_149 = arith.addi %select_n3A_137, %add3A_148 : i32
      %select_n3A_150 = arith.constant true
      %select_n3A_151 = arith.select %select_n3A_150, %add3A_149, %select_n3A_137 : i32
      %eq3A_152 = arith.constant 32 : i32
      %eq3A_153 = arith.cmpi eq, %select_n3A_151, %eq3A_152 : i32
      %select_n3A_154 = arith.constant 0 : i32
      %select_n3A_155 = arith.select %eq3A_153, %select_n3A_154, %select_n3A_151 : i32
      %add3A_156 = arith.addi %select_n3A_155, %mul3A_41 : i32
      %add3A_157 = arith.constant 1 : i32
      %add3A_158 = arith.addi %select_n3A_155, %add3A_157 : i32
      %select_n3A_159 = arith.constant true
      %select_n3A_160 = arith.select %select_n3A_159, %add3A_158, %select_n3A_155 : i32
      %eq3A_161 = arith.constant 32 : i32
      %eq3A_162 = arith.cmpi eq, %select_n3A_160, %eq3A_161 : i32
      %select_n3A_163 = arith.constant 0 : i32
      %select_n3A_164 = arith.select %eq3A_162, %select_n3A_163, %select_n3A_160 : i32
      %add3A_165 = arith.addi %select_n3A_164, %mul3A_41 : i32
      tpu.yield
    }) : () -> ()
    %mul3A_42 = arith.constant 2 : i32
    %mul3A_43 = arith.muli %arg1, %mul3A_42 : i32
    %add3A_44 = arith.addi %mul3A_43, %arg0 : i32
    "tpu.region"() ({
      %run_scoped3A = tpu.sem_alloc : memref<!tpu.dma_semaphore, #tpu.memory_space<semaphore_mem>>
      %dma_start3A = arith.constant 0 : i32
      %dma_start3A_45 = tpu.memref_slice %arg5[%add3A_44, %dma_start3A] : memref<32x128xf32, #tpu.memory_space<hbm>> -> memref<1x128xf32, #tpu.memory_space<hbm>>
      %dma_start3A_46 = tpu.memref_squeeze %dma_start3A_45 : memref<1x128xf32, #tpu.memory_space<hbm>> -> memref<128xf32, #tpu.memory_space<hbm>>
      %dma_start3A_47 = arith.constant 0 : i32
      %dma_start3A_48 = tpu.memref_slice %arg5[%add3A_44, %dma_start3A_47] : memref<32x128xf32, #tpu.memory_space<hbm>> -> memref<1x128xf32, #tpu.memory_space<hbm>>
      %dma_start3A_49 = tpu.memref_squeeze %dma_start3A_48 : memref<1x128xf32, #tpu.memory_space<hbm>> -> memref<128xf32, #tpu.memory_space<hbm>>
      tpu.enqueue_dma source(%arg7 : memref<128xf32, #tpu.memory_space<vmem>>) target(%dma_start3A_49 : memref<128xf32, #tpu.memory_space<hbm>>) target_semaphore(%run_scoped3A : memref<!tpu.dma_semaphore, #tpu.memory_space<semaphore_mem>>)
      %dma_wait3A = arith.constant 0 : i32
      %dma_wait3A_50 = tpu.memref_slice %arg5[%add3A_44, %dma_wait3A] : memref<32x128xf32, #tpu.memory_space<hbm>> -> memref<1x128xf32, #tpu.memory_space<hbm>>
      %dma_wait3A_51 = tpu.memref_squeeze %dma_wait3A_50 : memref<1x128xf32, #tpu.memory_space<hbm>> -> memref<128xf32, #tpu.memory_space<hbm>>
      %dma_wait3A_52 = arith.constant 0 : i32
      %dma_wait3A_53 = tpu.memref_slice %arg5[%add3A_44, %dma_wait3A_52] : memref<32x128xf32, #tpu.memory_space<hbm>> -> memref<1x128xf32, #tpu.memory_space<hbm>>
      %dma_wait3A_54 = tpu.memref_squeeze %dma_wait3A_53 : memref<1x128xf32, #tpu.memory_space<hbm>> -> memref<128xf32, #tpu.memory_space<hbm>>
      tpu.wait_dma2 semaphore(%run_scoped3A : memref<!tpu.dma_semaphore, #tpu.memory_space<semaphore_mem>>) src(%arg7 : memref<128xf32, #tpu.memory_space<vmem>>) dst(%dma_wait3A_54 : memref<128xf32, #tpu.memory_space<hbm>>)
      tpu.yield
    }) : () -> ()
    return
  }
}

module attributes {stable_mosaic.version = 14 : i64} {
  func.func @_table_body(%arg0: memref<32x128xf32, #tpu.memory_space<vmem>>, %arg1: memref<2x128xf32, #tpu.memory_space<vmem>>, %arg2: memref<2x128xf32, #tpu.memory_space<vmem>>, %arg3: memref<2x128xi32, #tpu.memory_space<vmem>>) attributes {dimension_semantics = [], scalar_prefetch = 0 : i64, scratch_operands = 0 : i64, tpu.core_type = #tpu.core_type<tc>} {
    %get3A = arith.constant 0 : index
    %get3A_0 = arith.constant 0 : index
    %get3A_1 = vector.load %arg0[%get3A, %get3A_0] : memref<32x128xf32, #tpu.memory_space<vmem>>, vector<32x128xf32>
    %iota3A = tpu.iota {dimensions = array<i32: 1>} : vector<32x128xi32>
    %lt3A = arith.constant 16 : i32
    %lt3A_2 = vector.broadcast %lt3A : i32 to vector<32x128xi32>
    %lt3A_3 = arith.cmpi slt, %iota3A, %lt3A_2 : vector<32x128xi32>
    %jit3A = arith.constant 0x7F800000 : f32
    %broadcast_in_dim3A = vector.broadcast %jit3A : f32 to vector<32x128xf32>
    %select_n3A = arith.select %lt3A_3, %get3A_1, %broadcast_in_dim3A : vector<32x128xi1>, vector<32x128xf32>
    %reduce_min3A = vector.shape_cast %select_n3A : vector<32x128xf32> to vector<1x32x128xf32>
    %reduce_min3A_4 = arith.constant dense<0x7F800000> : vector<1xf32>
    %reduce_min3A_5 = vector.multi_reduction <minimumf>, %reduce_min3A, %reduce_min3A_4 [1, 2] : vector<1x32x128xf32> to vector<1xf32>
    %reduce_min3A_6 = vector.shape_cast %reduce_min3A_5 : vector<1xf32> to vector<1x1x1xf32>
    %reduce_min3A_7 = vector.extract %reduce_min3A_6[0, 0, 0] : f32 from vector<1x1x1xf32>
    %ge3A = arith.constant 16 : i32
    %ge3A_8 = vector.broadcast %ge3A : i32 to vector<32x128xi32>
    %ge3A_9 = arith.cmpi sge, %iota3A, %ge3A_8 : vector<32x128xi32>
    %lt3A_10 = arith.constant 32 : i32
    %lt3A_11 = vector.broadcast %lt3A_10 : i32 to vector<32x128xi32>
    %lt3A_12 = arith.cmpi slt, %iota3A, %lt3A_11 : vector<32x128xi32>
    %and3A = arith.andi %ge3A_9, %lt3A_12 : vector<32x128xi1>
    %jit3A_13 = arith.constant 0xFF800000 : f32
    %broadcast_in_dim3A_14 = vector.broadcast %jit3A_13 : f32 to vector<32x128xf32>
    %select_n3A_15 = arith.select %and3A, %get3A_1, %broadcast_in_dim3A_14 : vector<32x128xi1>, vector<32x128xf32>
    %reduce_max3A = vector.shape_cast %select_n3A_15 : vector<32x128xf32> to vector<1x32x128xf32>
    %reduce_max3A_16 = arith.constant dense<0xFF800000> : vector<1xf32>
    %reduce_max3A_17 = vector.multi_reduction <maximumf>, %reduce_max3A, %reduce_max3A_16 [1, 2] : vector<1x32x128xf32> to vector<1xf32>
    %reduce_max3A_18 = vector.shape_cast %reduce_max3A_17 : vector<1xf32> to vector<1x1x1xf32>
    %reduce_max3A_19 = vector.extract %reduce_max3A_18[0, 0, 0] : f32 from vector<1x1x1xf32>
    %sub3A = arith.subf %reduce_max3A_19, %reduce_min3A_7 : f32
    %div3A = arith.constant 4.000000e-01 : f32
    %div3A_20 = arith.divf %div3A, %sub3A : f32
    %mul3A = arith.mulf %reduce_min3A_7, %div3A_20 : f32
    %sub3A_21 = arith.constant 1.000000e-01 : f32
    %sub3A_22 = arith.subf %sub3A_21, %mul3A : f32
    %get3A_23 = arith.constant 0 : index
    %get3A_24 = arith.constant 0 : index
    %get3A_25 = vector.load %arg1[%get3A_23, %get3A_24] : memref<2x128xf32, #tpu.memory_space<vmem>>, vector<2x128xf32>
    %get3A_26 = arith.constant 0 : index
    %get3A_27 = arith.constant 0 : index
    %get3A_28 = vector.load %arg2[%get3A_26, %get3A_27] : memref<2x128xf32, #tpu.memory_space<vmem>>, vector<2x128xf32>
    %mul3A_29 = vector.broadcast %div3A_20 : f32 to vector<2x128xf32>
    %mul3A_30 = arith.mulf %get3A_25, %mul3A_29 : vector<2x128xf32>
    %add3A = vector.broadcast %sub3A_22 : f32 to vector<2x128xf32>
    %add3A_31 = arith.addf %mul3A_30, %add3A : vector<2x128xf32>
    %mul3A_32 = vector.broadcast %div3A_20 : f32 to vector<2x128xf32>
    %mul3A_33 = arith.mulf %get3A_28, %mul3A_32 : vector<2x128xf32>
    %iota3A_34 = tpu.iota {dimensions = array<i32: 0>} : vector<2x128xi32>
    %iota3A_35 = tpu.iota {dimensions = array<i32: 1>} : vector<2x128xi32>
    %eq3A = arith.constant 0 : i32
    %eq3A_36 = vector.broadcast %eq3A : i32 to vector<2x128xi32>
    %eq3A_37 = arith.cmpi eq, %iota3A_34, %eq3A_36 : vector<2x128xi32>
    %eq3A_38 = arith.constant 0 : i32
    %eq3A_39 = vector.broadcast %eq3A_38 : i32 to vector<2x128xi32>
    %eq3A_40 = arith.cmpi eq, %iota3A_35, %eq3A_39 : vector<2x128xi32>
    %and3A_41 = arith.andi %eq3A_37, %eq3A_40 : vector<2x128xi1>
    %jit3A_42 = arith.constant 0.000000e+00 : f32
    %broadcast_in_dim3A_43 = vector.broadcast %jit3A_42 : f32 to vector<2x128xf32>
    %select_n3A_44 = arith.select %and3A_41, %broadcast_in_dim3A_43, %add3A_31 : vector<2x128xi1>, vector<2x128xf32>
    %jit3A_45 = arith.constant 0.000000e+00 : f32
    %broadcast_in_dim3A_46 = vector.broadcast %jit3A_45 : f32 to vector<2x128xf32>
    %select_n3A_47 = arith.select %and3A_41, %broadcast_in_dim3A_46, %mul3A_33 : vector<2x128xi1>, vector<2x128xf32>
    %convert_element_type3A = arith.truncf %select_n3A_44 : vector<2x128xf32> to vector<2x128xbf16>
    %bitcast_convert_type3A = tpu.bitcast %convert_element_type3A : vector<2x128xbf16> -> vector<2x128xi16>
    %convert_element_type3A_48 = arith.extui %bitcast_convert_type3A : vector<2x128xi16> to vector<2x128xi32>
    %convert_element_type3A_49 = arith.truncf %select_n3A_47 : vector<2x128xf32> to vector<2x128xbf16>
    %bitcast_convert_type3A_50 = tpu.bitcast %convert_element_type3A_49 : vector<2x128xbf16> -> vector<2x128xi16>
    %convert_element_type3A_51 = arith.extui %bitcast_convert_type3A_50 : vector<2x128xi16> to vector<2x128xi32>
    %shift_left3A = arith.constant 16 : i32
    %shift_left3A_52 = vector.broadcast %shift_left3A : i32 to vector<2x128xi32>
    %shift_left3A_53 = arith.shli %convert_element_type3A_48, %shift_left3A_52 : vector<2x128xi32>
    %or3A = arith.ori %shift_left3A_53, %convert_element_type3A_51 : vector<2x128xi32>
    %bitcast_convert_type3A_54 = tpu.bitcast %or3A : vector<2x128xi32> -> vector<2x128xi32>
    %swap3A = arith.constant 0 : index
    %swap3A_55 = arith.constant 0 : index
    %swap3A_56 = vector.load %arg3[%swap3A, %swap3A_55] : memref<2x128xi32, #tpu.memory_space<vmem>>, vector<2x128xi32>
    tpu.vector_store %arg3[%swap3A, %swap3A_55], %bitcast_convert_type3A_54 {strides = array<i32>} : memref<2x128xi32, #tpu.memory_space<vmem>>, vector<2x128xi32>,
    return
  }
}

</mosaic_0001>

<sc_bundles>
// kernel: kernel.5.cloned.1.call-start
scs
__scs_entry_jumppad:
0x0: {  	(pc) =	sbr.rel $0x88, $3  }
0x1: {  	(tag) =	ssettag $0x0;
	lr =	simm.s32 $0x1  }
0x2: {  	[smem:$0x3F9D] =	sst lr;
	_ =	strace $0xD0000000  }
0x3: {  	_ = 	snop  }
0x4: {  	_ = 	snop  }
0x5: {  	_ = 	snop  }
0x6: {  	_ = 	snop  }
0x7: {  	_ = 	snop  }
__scs_overlays_trampoline_lowered:
0x8: {  	[smem:$0x3FAC] =	sst s0  }
0x9: {  	[smem:$0x3FAD] =	sst s1  }
0xa: {  	[smem:$0x3FAE] =	sst s2  }
0xb: {  	[smem:$0x3FAF] =	sst s3  }
0xc: {  	[smem:$0x3FB0] =	sst s4  }
0xd: {  	[smem:$0x3FB1] =	sst s5  }
0xe: {  	[smem:$0x3FB2] =	sst s6  }
0xf: {  	[smem:$0x3FB3] =	sst s7  }
0x10: {  	[smem:$0x3FB4] =	sst s8  }
0x11: {  	[smem:$0x3FB5] =	sst s9;
	s0 =	simm.s32 @!p0 $0x0  }
0x12: {  	s1 =	sld [smem:$0x3F9B];
	s0 =	simm.s32 @p0 $0x1  }
0x13: {  	[smem:$0x3FB6] =	sst s0;
	s0 =	simm.s32 @!p1 $0x0  }
0x14: {  	s2 =	sld [smem:$0x3F9A];
	s0 =	simm.s32 @p1 $0x1  }
0x15: {  	[smem:$0x3FB7] =	sst s0;
	s0 =	simm.s32 @!p2 $0x0  }
0x16: {  	s3 =	sld [smem:$0x3FDB];
	s0 =	simm.s32 @p2 $0x1  }
0x17: {  	s4 =	simm.s32 $0x1BF5;
	[smem:$0x3FB9] =	sst s0  }
0x18: {  	s0 =	sld [smem:$0x3F9C];
	_ =	swait.ge [sflag:s4], $0x0  }
0x19: {  	s7 =	sld [smem:$0x3F9D]  }
0x1a: {  	s8 =	sadd.s32 $0xFFFFE003, lr  }
0x1b: {  	s9 =	sadd.s32 $0xFFFFFEF7, lr;
	s5 =	simm.s32 $0xFFFFFFFF;
	p2 =	slt.u32 s8, $0xFFFFF086  }
0x1c: {  	p1 =	slt.u32 s9, $0xF7A;
	s5 =	simm.s32 @!p2 $0x0  }
0x1d: {  	s5 =	simm.s32 @p1 $0x1;
	p0 =	seq.s32 s7, s2  }
0x1e: {  	s7 =	smul.u32 @!p0 $0xF7A, s2;
	p2 =	seq.s32 @!p0 s5, $0x0  }
0x1f: {  	s9 =	smul.u32 $0xF7A, s1;
	s8 =	simm.s32 @!p0 $0x1BF5;
	p2 =	por !p2, p0  }
0x20: {  	[sflag:s8] =	ssyncset.s32 @!p0 $0xFFFFF086;
	s6 =	sadd.s32 @!p0 s3, s7;
	s7 =	simm.s32 @!p0 $0x108  }
0x21: {  	s3 =	sadd.s32 s3, s9;
	s6 =	sadd.s32 @!p0 $0x88, s6;
	s7 =	simm.s32 @p2 $0x1082  }
0x22: {  	[simem:s7], [sflag:s8] =	dma.local @!p0 [hbm:s6], $0xF7A  }
0x23: {  	s9 =	sor.u32 $0xD0000000, s2;
	s6 =	simm.s32 $0x108;
	_ =	swait.ge @!p0 [sflag:s8], $0x0  }
0x24: {  	s3 =	sadd.s32 $0x88, s3;
	s6 =	simm.s32 @!p1 $0x1082;
	[sflag:s4] =	ssyncset.s32 $0xFFFFF086  }
0x25: {  	[simem:s6], [sflag:s4] =	dma.local [hbm:s3], $0xF7A  }
0x26: {  	[smem:$0x3F9D] =	sst s1;
	(tag) =	ssettag s2;
	_ =	strace s9  }
0x27: {  	s1 =	sld [smem:$0x3FAD]  }
0x28: {  	s2 =	sld [smem:$0x3FAE]  }
0x29: {  	s4 =	sld [smem:$0x3FB0]  }
0x2a: {  	p0 =	seq.s32 s5, $0x0;
	s5 =	sld [smem:$0x3FB1]  }
0x2b: {  	s6 =	sld [smem:$0x3FB2]  }
0x2c: {  	s7 =	sld [smem:$0x3FB3]  }
0x2d: {  	s3 =	simm.s32 $0x108;
	s8 =	sld [smem:$0x3FB4]  }
0x2e: {  	s3 =	simm.s32 @!p0 $0x1082;
	s9 =	sld [smem:$0x3FB5]  }
0x2f: {  	lr =	sadd.s32 s0, s3;
	s0 =	sld [smem:$0x3FAC]  }
0x30: {  	s3 =	sld [smem:$0x3FAF]  }
0x31: {  	[smem:$0x3FB8] =	sst s10  }
0x32: {  	s10 =	sld [smem:$0x3FB6];
	_ =	sdelay $0x3  }
0x33: {  	p0 =	seq.s32 s10, $0x1;
	s10 =	sld [smem:$0x3FB8];
	_ =	sdelay $0x3  }
0x34: {  	[smem:$0x3FB8] =	sst s10  }
0x35: {  	s10 =	sld [smem:$0x3FB7];
	_ =	sdelay $0x3  }
0x36: {  	p1 =	seq.s32 s10, $0x1;
	s10 =	sld [smem:$0x3FB8];
	_ =	sdelay $0x3  }
0x37: {  	[smem:$0x3FB8] =	sst s10  }
0x38: {  	s10 =	sld [smem:$0x3FB9]  }
0x39: {  	_ = 	snop;
	(pc) =	sbr.ind lr, $3  }
0x3a: {  	_ = 	snop  }
0x3b: {  	_ = 	snop  }
0x3c: {  	p2 =	seq.s32 s10, $0x1;
	s10 =	sld [smem:$0x3FB8]  }
0x3d: {  	_ =	shalt  }
0x3e: {  	_ =	shalt  }
0x3f: {  	_ =	shalt  }
0x40: {  	_ =	shalt  }
0x41: {  	_ =	shalt  }
0x42: {  	_ =	shalt  }
0x43: {  	_ =	shalt  }
0x44: {  	_ =	shalt  }
0x45: {  	_ =	shalt  }
0x46: {  	_ =	shalt  }
0x47: {  	_ =	shalt  }
0x48: {  	_ =	shalt  }
0x49: {  	_ =	shalt  }
0x4a: {  	_ =	shalt  }
0x4b: {  	_ =	shalt  }
0x4c: {  	_ =	shalt  }
0x4d: {  	_ =	shalt  }
0x4e: {  	_ =	shalt  }
0x4f: {  	_ =	shalt  }
0x50: {  	_ =	shalt  }
0x51: {  	_ =	shalt  }
0x52: {  	_ =	shalt  }
0x53: {  	_ =	shalt  }
0x54: {  	_ =	shalt  }
0x55: {  	_ =	shalt  }
0x56: {  	_ =	shalt  }
0x57: {  	_ =	shalt  }
0x58: {  	_ =	shalt  }
0x59: {  	_ =	shalt  }
0x5a: {  	_ =	shalt  }
0x5b: {  	_ =	shalt  }
0x5c: {  	_ =	shalt  }
0x5d: {  	_ =	shalt  }
0x5e: {  	_ =	shalt  }
0x5f: {  	_ =	shalt  }
0x60: {  	_ =	shalt  }
0x61: {  	_ =	shalt  }
0x62: {  	_ =	shalt  }
0x63: {  	_ =	shalt  }
0x64: {  	_ =	shalt  }
0x65: {  	_ =	shalt  }
0x66: {  	_ =	shalt  }
0x67: {  	_ =	shalt  }
0x68: {  	_ =	shalt  }
0x69: {  	_ =	shalt  }
0x6a: {  	_ =	shalt  }
0x6b: {  	_ =	shalt  }
0x6c: {  	_ =	shalt  }
0x6d: {  	_ =	shalt  }
0x6e: {  	_ =	shalt  }
0x6f: {  	_ =	shalt  }
0x70: {  	_ =	shalt  }
0x71: {  	_ =	shalt  }
0x72: {  	_ =	shalt  }
0x73: {  	_ =	shalt  }
0x74: {  	_ =	shalt  }
0x75: {  	_ =	shalt  }
0x76: {  	_ =	shalt  }
0x77: {  	_ =	shalt  }
0x78: {  	_ =	shalt  }
0x79: {  	_ =	shalt  }
0x7a: {  	_ =	shalt  }
0x7b: {  	_ =	shalt  }
0x7c: {  	_ =	shalt  }
0x7d: {  	_ =	shalt  }
0x7e: {  	_ =	shalt  }
0x7f: {  	_ =	shalt  }
0x80: {  	_ =	shalt  }
0x81: {  	_ =	shalt  }
0x82: {  	_ =	shalt  }
0x83: {  	_ =	shalt  }
0x84: {  	_ =	shalt  }
0x85: {  	_ =	shalt  }
0x86: {  	_ =	shalt  }
0x87: {  	_ =	shalt  }
.Lfunc_end0:
.L_simem_size_0:
called_computation_lowered:
.L_overlay_start_0:
0x88: {  	s2 =	sld [smem:$0x3FD9]  }
0x89: {  	s3 =	sld [smem:$0x3FFE];
	_ =	sdelay $0x1  }
0x8a: {  	s1 =	srdreg.scid  }
0x8b: {  	s0 =	sand.u32 $0x1, s1  }
0x8c: {  	s17 =	sshll.u32 s0, $0xA;
	s2 =	sadd.s32 s3, s2  }
0x8d: {  	s2 =	sadd.s32 s2, s17  }
0x8e: {  	[smem:$0x3FC4] =	sst s2  }
0x8f: {  	_ = 	snop  }
0x90: {  	s2 =	sld [smem:$0x3FC9]  }
0x91: {  	s18 =	sld [smem:$0x3FC6]  }
0x92: {  	s4 =	sld [smem:$0x3FD0];
	(tm) =	ssettm $0x1  }
0x93: {  	s5 =	sld [smem:$0x3FFB];
	_ =	sdelay $0x3  }
0x94: {  	_ =	strace s5  }
0x95: {  	s5 =	sld [smem:$0x3FFC];
	_ =	sdelay $0x3  }
0x96: {  	_ =	strace s5  }
0x97: {  	s5 =	sld [smem:$0x3FFD];
	_ =	sdelay $0x3  }
0x98: {  	_ =	strace s5  }
0x99: {  	_ =	strace $0x8FFFFFFF  }
0x9a: {  	s19 =	sld [smem:$0x3FDB];
	_ =	sdelay $0x1  }
0x9b: {  	s6 =	simm.s32 $_scs_section_size  }
0x9c: {  	s7 =	simm.s32 $_size__tile_overlayer_lowered;
	s8 =	simm.s32 $_tile_overlayer_lowered  }
0x9d: {  	s22 =	simm.s32 $0x1BFF;
	s21 =	sshll.u32 s8, $0x1;
	s5 =	sadd.s32 s6, s19  }
0x9e: {  	s9 =	simm.s32 $0x0;
	s20 =	sshll.u32 s7, $0x1;
	s7 =	sadd.s32 s21, s5  }
0x9f: {  	[timem:s9], [sflag:s22] =	dma.local [hbm:s7], s20  }
0xa0: {  	_ =	swait.ge [sflag:s22], s20  }
0xa1: {  	s6 =	ssub.s32 $0x0, s20;
	[sflag:s22] =	ssyncset.done $0x0  }
0xa2: {  	[sflag:s22] =	ssyncadd.s32 s6;
	_ =	sdelay $0x1  }
0xa3: {  	s23 =	simm.s32 $0x1B8B  }
0xa4: {  	_ =	swait.ge [sflag:s23], $0x1  }
0xa5: {  	[sflag:s23] =	ssyncset.done $0x0  }
0xa6: {  	s25 =	simm.s32 $0x1B8E;
	s24 =	sld [smem:$0x3FFE];
	[sflag:s23] =	ssyncadd.s32 $0xFFFFFFFF  }
0xa7: {  	s26 =	simm.s32 $execute0_lowered;
	[smem:$0x3FD2] =	sst s25  }
0xa8: {  	s7 =	sshll.u32 s26, $0x1;
	_ =	strace $0x80000046;
	[dreg:$0x1] =	wrdreg $0xFFFFFFFF  }
0xa9: {  	s28 =	simm.s32 $_size_execute0_lowered;
	s5 =	sadd.s32 s5, s7;
	[dreg:$0x0] =	wrdreg $0x0  }
0xaa: {  	s7 =	sshll.u32 s28, $0x1;
	[dreg:$0x2] =	wrdreg s5  }
0xab: {  	[dreg:$0x3] =	wrdreg s7  }
0xac: {  	[dreg:$0x4] =	wrdreg $0xC0  }
0xad: {  	_ =	task [dreg:s9], $0x5FFFF  }
0xae: {  	[dreg:$0x1] =	wrdreg $0xFFFFFFFF  }
0xaf: {  	[dreg:$0x0] =	wrdreg $0x60  }
0xb0: {  	[dreg:$0x2] =	wrdreg s24  }
0xb1: {  	[dreg:$0x3] =	wrdreg s2  }
0xb2: {  	[dreg:$0x4] =	wrdreg s18  }
0xb3: {  	[dreg:$0x5] =	wrdreg s4  }
0xb4: {  	[dreg:$0x6] =	wrdreg $0x9  }
0xb5: {  	_ =	task.clear_ibuf [dreg:s9], $0x7FFFF;
	_ =	strace $0x90000046  }
0xb6: {  	s29 =	simm.s32 $0x9;
	_ =	strace $0x8000004E  }
0xb7: {  	_ =	swait.ge [sflag:s29], $0x1  }
0xb8: {  	[sflag:s29] =	ssyncadd.s32 $0xFFFFFFFF  }
0xb9: {  	_ =	strace $0x9000004E  }
0xba: {  	_ =	sfence  }
0xbb: {  	s30 =	sld [smem:$0x0];
	_ =	sdelay $0x2  }
0xbc: {  	s31 =	sshll.u32 s1, $0xD;
	s1 =	sshrl.u32 s1, $0x2  }
0xbd: {  	s3 =	sand.u32 $0x4000, s31;
	s1 =	sadd.s32 s1, s30  }
0xbe: {  	s0 =	sor.u32 s3, s0;
	s1 =	sshll.u32 s1, $0x11  }
0xbf: {  	s0 =	sor.u32 s1, s0  }
0xc0: {  	s0 =	sadd.s32 $0x8F2B, s0  }
0xc1: {  	[sflag:s0] =	ssyncadd.remote.s32 $0x1  }
0xc2: {  	_ =	sfence.sel $0xFFFF  }
0xc3: {  	[dreg:$0x0] =	wrdreg $0xFFFFFFFF;
	(pc) =	sbr.abs _section_cstart, $3  }
0xc4: {  	[dreg:$0x1] =	wrdreg $0xFFFFFFFF  }
0xc5: {  	_ =	task.clear_ibuf [dreg:s9], $0x2FFFF;
	_ =	strace $0x9FFFFFFF  }
0xc6: {  	(tm) =	ssettm $0x7FFFFFFF  }
0xc7: {  	_ =	shalt  }
tec
execute0_lowered:
.L_overlay_start_1:
0x0: {  	(tag) =	ssettag $0x1  }
0x1: {  	s0 =	rddreg [dreg:$0x0]  }
0x2: {  	s1 =	rddreg [dreg:$0x1]  }
0x3: {  	s2 =	rddreg [dreg:$0x2]  }
0x4: {  	s4 =	rddreg [dreg:$0x3];
	s3 =	simm.s32 $0x0;
	s5 =	srdreg.scid  }
0x5: {  	s8 =	stileid.u32;
	[smem:$0x7FF] =	sst s3;
	s5 =	sand.u32 $0x1, s5  }
0x6: {  	s0 =	sadd.s32 $0x1000, s0;
	s29 =	sshll.u32 s8, $0x5;
	_ =	strace $0x80000047  }
0x7: {  	s6 =	ssub.s32 $0x2, s5;
	s5 =	sshll.u32 s5, $0x4;
	[dreg:$0x5] =	wrdreg s0  }
0x8: {  	s7 =	sshrl.u32 s6, $0x1;
	s28 =	sor.u32 s8, s5;
	s4 =	sadd.s32 s4, s5  }
0x9: {  	s26 =	ssub.s32 s6, s7;
	s6 =	sshll.u32 s28, $0x10;
	s4 =	sadd.s32 s29, s4  }
0xa: {  	s30 =	sadd.s32 s1, s6;
	[dreg:$0x8] =	wrdreg s4  }
0xb: {  	s31 =	sadd.s32 s2, s6;
	[dreg:$0x6] =	wrdreg s30  }
0xc: {  	s0 =	smax.u32 s26, $0x1;
	[dreg:$0x7] =	wrdreg s31  }
0xd: {  	v0 =	vimm.f32 $+Inf;
	v1 =	vimm.f32 $-Inf;
	s5 =	simm.s32 $0x0;
	s4 =	simm.s32 $0x1;
	[dreg:$0x9] =	wrdreg s0  }
.LBB2_1:
0xe: {  	[dreg:$0xa] =	wrdreg s5  }
0xf: {  	s0 =	rddreg [dreg:$0x5]  }
0x10: {  	[tilespmem:s3], [sflag:$0x1] =	stream.linear.gather [hbm4b:s0+s3], $0x100, $0x38;
	[tilespmem:$0x10180] =	vst v63  }
0x11: {  	_ =	swait.ge [sflag:s4], $0x100  }
0x12: {  	[sflag:s4] =	ssyncset.done $0x0  }
0x13: {  	[sflag:s4] =	ssyncadd.s32 $0xFFFFFF00  }
0x14: {  	[tilespmem:$0x100] =	vst v0  }
0x15: {  	[tilespmem:$0x120] =	vst v0  }
0x16: {  	[tilespmem:$0x130] =	vst v0  }
0x17: {  	[tilespmem:$0x140] =	vst v0  }
0x18: {  	[tilespmem:$0x150] =	vst v0  }
0x19: {  	[tilespmem:$0x160] =	vst v0  }
0x1a: {  	[tilespmem:$0x170] =	vst v0  }
0x1b: {  	[tilespmem:$0x110] =	vst v1  }
0x1c: {  	s29 =	simm.s32 $0x180;
	s31 =	simm.s32 $0x8180;
	_ =	strace $0x80000048  }
0x1d: {  	s22 =	simm.s32 $0x0;
	s16 =	simm.s32 $0x0;
	s28 =	rddreg [dreg:$0x6]  }
0x1e: {  	[tilespmem:s29], [sflag:$0x1] =	stream.linear.gather [hbm4b:s28+s3], $0x4000, $0x200038;
	[tilespmem:$0x10180] =	vst v63  }
0x1f: {  	s17 =	simm.s32 $0x1;
	s18 =	simm.s32 $0x0;
	s30 =	rddreg [dreg:$0x7]  }
0x20: {  	[tilespmem:s31], [sflag:$0x3] =	stream.linear.gather [hbm4b:s30+s3], $0x4000, $0x200038;
	[tilespmem:$0x10180] =	vst v63  }
0x21: {  	s19 =	simm.s32 $0x1;
	s20 =	simm.s32 $0x0;
	_ =	strace $0x90000048  }
.LBB2_2:
0x22: {  	s21 =	sadd.s32 $0x1, s22  }
0x23: {  	p0 =	seq.s32 s21, $0x20  }
0x24: {  	s21 =	simm.s32 @p0 $0x0;
	p0 =	seq.s32 s20, $0x1F  }
0x25: {  	p1 =	seq.s32 @!p0 s22, s21  }
0x26: {  	p2 =	por p1, p0  }
0x27: {  	s4 =	sshll.u32 @!p2 s21, $0xB  }
0x28: {  	s0 =	sand.u32 @!p2 $0x1, s19;
	_ =	strace @!p2 $0x80000049;
	s4 =	sadd.s32 @!p2 s4, s6  }
0x29: {  	s8 =	simm.s32 @!p2 $0x0;
	s5 =	sshll.u32 @!p2 s0, $0xE;
	s4 =	sand.u32 @!p2 $0x1FFFF800, s4  }
0x2a: {  	s0 =	sadd.s32 @!p2 $0x1, s0;
	s5 =	sor.u32 @!p2 $0x180, s5;
	s7 =	sadd.s32 @!p2 s1, s4  }
0x2b: {  	[tilespmem:s5], [sflag:s0] =	stream.linear.gather @!p2 [hbm4b:s7+s8], $0x4000, $0x200038;
	[tilespmem:$0x10180] =	vst v63  }
0x2c: {  	s0 =	sand.u32 @!p2 $0x1, s17  }
0x2d: {  	s4 =	sadd.s32 @!p2 s2, s4;
	_ =	strace @!p2 $0x90000049;
	s5 =	sshll.u32 @!p2 s0, $0xE  }
0x2e: {  	s0 =	sadd.s32 @!p2 $0x3, s0;
	_ =	strace @!p2 $0x8000004A;
	s5 =	sor.u32 @!p2 $0x8180, s5  }
0x2f: {  	[tilespmem:s5], [sflag:s0] =	stream.linear.gather @!p2 [hbm4b:s4+s8], $0x4000, $0x200038;
	[tilespmem:$0x10180] =	vst v63  }
0x30: {  	s14 =	sand.u32 $0x1, s18;
	_ =	strace @!p2 $0x9000004A  }
0x31: {  	s0 =	sadd.s32 $0x1, s14;
	_ =	strace $0x8000004B  }
0x32: {  	_ =	swait.ge [sflag:s0], $0x4000  }
0x33: {  	s15 =	sshll.u32 s16, $0xE;
	[sflag:s0] =	ssyncset.done $0x0  }
0x34: {  	s23 =	sand.u32 $0x1, s16;
	s24 =	sshll.u32 s18, $0xE;
	[sflag:s0] =	ssyncadd.s32 $0xFFFFC000  }
0x35: {  	s4 =	sadd.s32 $0x3, s23;
	s0 =	sand.u32 $0x4000, s15;
	_ =	strace $0x9000004B  }
0x36: {  	s5 =	sand.u32 $0x4000, s24;
	s0 =	sor.u32 $0x8180, s0;
	_ =	strace $0x8000004C  }
0x37: {  	s5 =	sor.u32 $0x180, s5;
	v2 =	vmov s0;
	_ =	swait.ge [sflag:s4], $0x4000  }
0x38: {  	v5 =	vmov s5;
	[sflag:s4] =	ssyncset.done $0x0  }
0x39: {  	s25 =	simm.s32 $0x0;
	[sflag:s4] =	ssyncadd.s32 $0xFFFFC000  }
0x3a: {  	s26 =	sand.u32 $0x3800, s25;
	s0 =	sand.u32 $0x380, s25;
	_ =	strace $0x9000004C  }
0x3b: {  	s10 =	sor.u32 s0, s26;
	_ =	strace $0x8000004D  }
0x3c: {  	v6 =	vld.idx.msk [tilespmem:v2+s10+$0x0 ss:$0x1], $0xffff  }
0x3d: {  	s31 =	sor.u32 $0x470, s10;
	v3 =	vld.idx.msk [tilespmem:v5+s10+$0x0 ss:$0x1], $0xffff  }
0x3e: {  	s30 =	sor.u32 $0x460, s10;
	v4 =	vld.idx.msk [tilespmem:v5+s31+$0x0 ss:$0x1], $0xffff  }
0x3f: {  	s29 =	sor.u32 $0x450, s10;
	v7 =	vld.idx.msk [tilespmem:v5+s30+$0x0 ss:$0x1], $0xffff  }
0x40: {  	s26 =	sor.u32 $0x440, s10;
	v8 =	vld.idx.msk [tilespmem:v5+s29+$0x0 ss:$0x1], $0xffff  }
0x41: {  	s25 =	sor.u32 $0x430, s10;
	v9 =	vld.idx.msk [tilespmem:v5+s26+$0x0 ss:$0x1], $0xffff  }
0x42: {  	s24 =	sor.u32 $0x420, s10;
	v10 =	vld.idx.msk [tilespmem:v5+s25+$0x0 ss:$0x1], $0xffff  }
0x43: {  	s28 =	sor.u32 $0x410, s10;
	v13 =	vld.idx.msk [tilespmem:v5+s24+$0x0 ss:$0x1], $0xffff  }
0x44: {  	s0 =	sor.u32 $0x400, s10;
	v14 =	vld.idx.msk [tilespmem:v5+s28+$0x0 ss:$0x1], $0xffff  }
0x45: {  	s4 =	sor.u32 $0x70, s10;
	v15 =	vld.idx.msk [tilespmem:v5+s0+$0x0 ss:$0x1], $0xffff  }
0x46: {  	s11 =	sor.u32 $0x20, s10;
	v16 =	vld.idx.msk [tilespmem:v5+s4+$0x0 ss:$0x1], $0xffff  }
0x47: {  	s5 =	sor.u32 $0x60, s10;
	v11 =	vld.idx.msk [tilespmem:v2+s11+$0x0 ss:$0x1], $0xffff  }
0x48: {  	s12 =	sor.u32 $0x10, s10;
	v20 =	vld.idx.msk [tilespmem:v5+s5+$0x0 ss:$0x1], $0xffff  }
0x49: {  	s7 =	sor.u32 $0x50, s10;
	v12 =	vld.idx.msk [tilespmem:v2+s12+$0x0 ss:$0x1], $0xffff  }
0x4a: {  	s8 =	sor.u32 $0x40, s10;
	v23 =	vld.idx.msk [tilespmem:v5+s7+$0x0 ss:$0x1], $0xffff  }
0x4b: {  	v27 =	vld.idx.msk [tilespmem:v5+s8+$0x0 ss:$0x1], $0xffff  }
0x4c: {  	v17 =	vld.idx.msk [tilespmem:v5+s11+$0x0 ss:$0x1], $0xffff  }
0x4d: {  	s10 =	sor.u32 $0x30, s10;
	v31 =	vld.idx.msk [tilespmem:v5+s12+$0x0 ss:$0x1], $0xffff  }
0x4e: {  	v19 =	vld.idx.msk [tilespmem:v5+s10+$0x0 ss:$0x1], $0xffff  }
0x4f: {  	v3 =	vld.idx.msk [tilespmem:v3+s3+$0x0], $0xffff  }
0x50: {  	v32 =	vld.idx.msk [tilespmem:v4+s3+$0x0], $0xffff  }
0x51: {  	v33 =	vld.idx.msk [tilespmem:v7+s3+$0x0], $0xffff  }
0x52: {  	v34 =	vld.idx.msk [tilespmem:v8+s3+$0x0], $0xffff  }
0x53: {  	v24 =	vld.idx.msk [tilespmem:v9+s3+$0x0], $0xffff  }
0x54: {  	v29 =	vld.idx.msk [tilespmem:v10+s3+$0x0], $0xffff  }
0x55: {  	v25 =	vld.idx.msk [tilespmem:v13+s3+$0x0], $0xffff  }
0x56: {  	v22 =	vld.idx.msk [tilespmem:v14+s3+$0x0], $0xffff  }
0x57: {  	v26 =	vld.idx.msk [tilespmem:v15+s3+$0x0], $0xffff  }
0x58: {  	v15 =	vld.idx.msk [tilespmem:v16+s3+$0x0], $0xffff  }
0x59: {  	v18 =	vimm.f32 $-Inf;
	p1 =	por !p1, p0;
	s23 =	simm.s32 $0x0;
	v9 =	vimm.f32 $+Inf;
	v20 =	vld.idx.msk [tilespmem:v20+s3+$0x0], $0xffff;
	v21 =	vand.u32 $0xFFFF0000, v3  }
0x5a: {  	s9 =	smov.u32 s19;
	s23 =	simm.s32 @p1 $0x1;
	s11 =	sadd.s32 @!p2 $0x1, s19;
	v23 =	vld.idx.msk [tilespmem:v23+s3+$0x0], $0xffff;
	v28 =	vshll.u32 v3, $0x10;
	v4 =	vand.u32 $0xFFFF0000, v33;
	v3 =	vand.u32 $0xFFFF0000, v32  }
0x5b: {  	s14 =	simm.s32 $0x100;
	s23 =	simm.s32 @p0 $0x0;
	s19 =	smov.u32 @p1 s11;
	v30 =	vld.idx.msk [tilespmem:v27+s3+$0x0], $0xffff;
	v7 =	vand.u32 $0xFFFF0000, v34;
	v14 =	vshll.u32 v33, $0x10;
	v16 =	vshll.u32 v32, $0x10  }
0x5c: {  	s12 =	simm.s32 $0x80;
	s11 =	simm.s32 $0x0;
	s19 =	smov.u32 @p0 s9;
	v27 =	vld.idx.msk [tilespmem:v31+s3+$0x0], $0xffff;
	v10 =	vand.u32 $0xFFFF0000, v29;
	v8 =	vand.u32 $0xFFFF0000, v24;
	v13 =	vshll.u32 v34, $0x10  }
.LBB2_3:
0x5d: {  	s9 =	sand.u32 $0x3800, s14;
	s13 =	sand.u32 $0x380, s12;
	v31 =	vld.idx.msk [tilespmem:v17+s3+$0x0], $0xffff;
	v17 =	vand.u32 $0xFFFF0000, v25;
	v29 =	vshll.u32 v29, $0x10;
	v24 =	vshll.u32 v24, $0x10  }
0x5e: {  	v32 =	vand.u32 $0xFFFF0000, v26;
	v33 =	vand.u32 $0xFFFF0000, v22;
	v25 =	vshll.u32 v25, $0x10;
	s9 =	sor.u32 s13, s9;
	v19 =	vld.idx.msk [tilespmem:v19+s3+$0x0], $0xffff  }
0x5f: {  	v35 =	vand.u32 $0xFFFF0000, v15;
	v26 =	vshll.u32 v26, $0x10;
	v22 =	vshll.u32 v22, $0x10;
	v34 =	vld.idx.msk [tilespmem:v2+s9+$0x0 ss:$0x1], $0xffff  }
0x60: {  	v39 =	vshll.u32 v15, $0x10;
	v38 =	vand.u32 $0xFFFF0000, v20;
	v37 =	vand.u32 $0xFFFF0000, v23;
	v36 =	vld.idx.msk [tilespmem:v2+s10+$0x0 ss:$0x1], $0xffff  }
0x61: {  	v6 =	vmul.f32 v28, v6;
	v20 =	vshll.u32 v20, $0x10;
	v28 =	vand.u32 $0xFFFF0000, v30;
	v15 =	vld.idx.msk [tilespmem:v5+s9+$0x0 ss:$0x1], $0xffff  }
0x62: {  	v23 =	vshll.u32 v23, $0x10;
	v30 =	vshll.u32 v30, $0x10;
	v40 =	vshll.u32 v27, $0x10;
	v41 =	vld.idx.msk [tilespmem:v2+s8+$0x0 ss:$0x1], $0xffff  }
0x63: {  	v21 =	vadd.f32 v21, v6;
	v45 =	vmul.f32 v40, v12;
	v12 =	vshll.u32 v31, $0x10;
	v40 =	vld.idx.msk [tilespmem:v2+s31+$0x0 ss:$0x1], $0xffff  }
0x64: {  	v27 =	vand.u32 $0xFFFF0000, v27;
	v11 =	vmul.f32 v12, v11;
	v12 =	vshll.u32 v19, $0x10;
	v42 =	vld.idx.msk [tilespmem:v2+s7+$0x0 ss:$0x1], $0xffff  }
0x65: {  	vm0 =	veq.f32 v21, $+Inf;
	v43 =	vmax.f32 v18, v21;
	v27 =	vadd.f32 v27, v45;
	v6 =	vmovc v34;
	v44 =	vld.idx.msk [tilespmem:v2+s30+$0x0 ss:$0x1], $0xffff  }
0x66: {  	v18 =	vsel vm0, v18, v43;
	v31 =	vand.u32 $0xFFFF0000, v31;
	v12 =	vmul.f32 v12, v36;
	v34 =	vld.idx.msk [tilespmem:v2+s5+$0x0 ss:$0x1], $0xffff  }
0x67: {  	v31 =	vadd.f32 v31, v11;
	vm0 =	veq.f32 v27, $+Inf;
	v36 =	vmax.f32 v18, v27;
	v11 =	vld.idx.msk [tilespmem:v2+s29+$0x0 ss:$0x1], $0xffff  }
0x68: {  	v19 =	vand.u32 $0xFFFF0000, v19;
	v18 =	vsel vm0, v18, v36;
	v30 =	vmul.f32 v30, v41;
	v36 =	vld.idx.msk [tilespmem:v2+s4+$0x0 ss:$0x1], $0xffff  }
0x69: {  	vm0 =	veq.f32 v31, $+Inf;
	v12 =	vadd.f32 v19, v12;
	v41 =	vmax.f32 v18, v31;
	v19 =	vld.idx.msk [tilespmem:v2+s26+$0x0 ss:$0x1], $0xffff  }
0x6a: {  	v16 =	vmul.f32 v16, v40;
	v18 =	vsel vm0, v18, v41;
	v23 =	vmul.f32 v23, v42;
	v41 =	vld.idx.msk [tilespmem:v2+s0+$0x0 ss:$0x1], $0xffff  }
0x6b: {  	vm0 =	veq.f32 v12, $+Inf;
	v28 =	vadd.f32 v28, v30;
	v40 =	vmax.f32 v18, v12;
	v30 =	vld.idx.msk [tilespmem:v2+s25+$0x0 ss:$0x1], $0xffff  }
0x6c: {  	s31 =	sor.u32 $0x470, s9;
	v14 =	vmul.f32 v14, v44;
	v18 =	vsel vm0, v18, v40;
	v20 =	vmul.f32 v20, v34;
	v34 =	vld.idx.msk [tilespmem:v2+s28+$0x0 ss:$0x1], $0xffff  }
0x6d: {  	vm0 =	veq.f32 v28, $+Inf;
	v23 =	vadd.f32 v37, v23;
	v42 =	vmax.f32 v18, v28;
	v40 =	vld.idx.msk [tilespmem:v5+s31+$0x0 ss:$0x1], $0xffff  }
0x6e: {  	s30 =	sor.u32 $0x460, s9;
	v13 =	vmul.f32 v13, v11;
	v18 =	vsel vm0, v18, v42;
	v36 =	vmul.f32 v39, v36;
	v37 =	vld.idx.msk [tilespmem:v2+s24+$0x0 ss:$0x1], $0xffff  }
0x6f: {  	s29 =	sor.u32 $0x450, s9;
	vm0 =	veq.f32 v23, $+Inf;
	v20 =	vadd.f32 v38, v20;
	v11 =	vmax.f32 v18, v23;
	v39 =	vld.idx.msk [tilespmem:v5+s30+$0x0 ss:$0x1], $0xffff  }
0x70: {  	s26 =	sor.u32 $0x440, s9;
	v19 =	vmul.f32 v24, v19;
	v11 =	vsel vm0, v18, v11;
	v18 =	vmul.f32 v26, v41;
	v38 =	vld.idx.msk [tilespmem:v5+s29+$0x0 ss:$0x1], $0xffff  }
0x71: {  	s25 =	sor.u32 $0x430, s9;
	vm0 =	veq.f32 v20, $+Inf;
	v35 =	vadd.f32 v35, v36;
	v26 =	vmax.f32 v11, v20;
	v24 =	vld.idx.msk [tilespmem:v5+s26+$0x0 ss:$0x1], $0xffff  }
0x72: {  	s24 =	sor.u32 $0x420, s9;
	v11 =	vsel vm0, v11, v26;
	v22 =	vmul.f32 v22, v34;
	v26 =	vmul.f32 v29, v30;
	v36 =	vld.idx.msk [tilespmem:v5+s25+$0x0 ss:$0x1], $0xffff  }
0x73: {  	s28 =	sor.u32 $0x410, s9;
	vm0 =	veq.f32 v35, $+Inf;
	v18 =	vadd.f32 v32, v18;
	v29 =	vmax.f32 v11, v35;
	v30 =	vld.idx.msk [tilespmem:v5+s24+$0x0 ss:$0x1], $0xffff  }
0x74: {  	s0 =	sor.u32 $0x400, s9;
	v11 =	vsel vm0, v11, v29;
	v22 =	vadd.f32 v33, v22;
	v25 =	vmul.f32 v25, v37;
	v32 =	vld.idx.msk [tilespmem:v5+s28+$0x0 ss:$0x1], $0xffff  }
0x75: {  	v9 =	vmin.f32 v9, v21;
	s4 =	sor.u32 $0x70, s9;
	vm0 =	veq.f32 v18, $+Inf;
	v21 =	vmax.f32 v11, v18;
	v33 =	vld.idx.msk [tilespmem:v5+s0+$0x0 ss:$0x1], $0xffff  }
0x76: {  	s13 =	sor.u32 $0x20, s9;
	v9 =	vmin.f32 v9, v27;
	v21 =	vsel vm0, v11, v21;
	v25 =	vadd.f32 v17, v25;
	v34 =	vld.idx.msk [tilespmem:v5+s4+$0x0 ss:$0x1], $0xffff  }
0x77: {  	s5 =	sor.u32 $0x60, s9;
	v9 =	vmin.f32 v9, v31;
	vm0 =	veq.f32 v22, $+Inf;
	v17 =	vmax.f32 v21, v22;
	v11 =	vld.idx.msk [tilespmem:v2+s13+$0x0 ss:$0x1], $0xffff  }
0x78: {  	s15 =	sor.u32 $0x10, s9;
	v9 =	vmin.f32 v9, v12;
	v10 =	vadd.f32 v10, v26;
	v17 =	vsel vm0, v21, v17;
	v27 =	vld.idx.msk [tilespmem:v5+s5+$0x0 ss:$0x1], $0xffff  }
0x79: {  	s7 =	sor.u32 $0x50, s9;
	v9 =	vmin.f32 v9, v28;
	vm0 =	veq.f32 v25, $+Inf;
	v21 =	vmax.f32 v17, v25;
	v12 =	vld.idx.msk [tilespmem:v2+s15+$0x0 ss:$0x1], $0xffff  }
0x7a: {  	s8 =	sor.u32 $0x40, s9;
	v9 =	vmin.f32 v9, v23;
	v8 =	vadd.f32 v8, v19;
	v17 =	vsel vm0, v17, v21;
	v31 =	vld.idx.msk [tilespmem:v5+s7+$0x0 ss:$0x1], $0xffff  }
0x7b: {  	s10 =	sor.u32 $0x30, s9;
	v9 =	vmin.f32 v9, v20;
	vm0 =	veq.f32 v10, $+Inf;
	v20 =	vmax.f32 v17, v10;
	v37 =	vld.idx.msk [tilespmem:v5+s8+$0x0 ss:$0x1], $0xffff  }
0x7c: {  	v7 =	vadd.f32 v7, v13;
	v9 =	vmin.f32 v9, v35;
	v20 =	vsel vm0, v17, v20;
	v19 =	vld.idx.msk [tilespmem:v5+s10+$0x0 ss:$0x1], $0xffff  }
0x7d: {  	v9 =	vmin.f32 v9, v18;
	vm0 =	veq.f32 v8, $+Inf;
	v13 =	vmax.f32 v20, v8;
	v17 =	vld.idx.msk [tilespmem:v5+s13+$0x0 ss:$0x1], $0xffff  }
0x7e: {  	v4 =	vadd.f32 v4, v14;
	v9 =	vmin.f32 v9, v22;
	v13 =	vsel vm0, v20, v13;
	v35 =	vld.idx.msk [tilespmem:v5+s15+$0x0 ss:$0x1], $0xffff  }
0x7f: {  	v9 =	vmin.f32 v9, v25;
	vm0 =	veq.f32 v7, $+Inf;
	v14 =	vld.idx.msk [tilespmem:v15+s3+$0x0], $0xffff;
	v15 =	vmax.f32 v13, v7  }
0x80: {  	s11 =	sadd.s32 $0x10, s11;
	v3 =	vadd.f32 v3, v16;
	v9 =	vmin.f32 v9, v10;
	v40 =	vld.idx.msk [tilespmem:v40+s3+$0x0], $0xffff;
	v10 =	vsel vm0, v13, v15  }
0x81: {  	p1 =	slt.u32 s11, $0x3F0;
	v8 =	vmin.f32 v9, v8;
	vm0 =	veq.f32 v4, $+Inf;
	v13 =	vld.idx.msk [tilespmem:v39+s3+$0x0], $0xffff;
	v9 =	vmax.f32 v10, v4  }
0x82: {  	v7 =	vmin.f32 v8, v7;
	v38 =	vld.idx.msk [tilespmem:v38+s3+$0x0], $0xffff;
	v8 =	vsel vm0, v10, v9  }
0x83: {  	v4 =	vmin.f32 v7, v4;
	vm0 =	veq.f32 v3, $+Inf;
	v24 =	vld.idx.msk [tilespmem:v24+s3+$0x0], $0xffff;
	v7 =	vmax.f32 v8, v3  }
0x84: {  	v9 =	vmin.f32 v4, v3;
	v29 =	vld.idx.msk [tilespmem:v36+s3+$0x0], $0xffff;
	v18 =	vsel vm0, v8, v7  }
0x85: {  	v25 =	vld.idx.msk [tilespmem:v30+s3+$0x0], $0xffff  }
0x86: {  	v22 =	vld.idx.msk [tilespmem:v32+s3+$0x0], $0xffff  }
0x87: {  	v26 =	vld.idx.msk [tilespmem:v33+s3+$0x0], $0xffff  }
.Ltmp0:
0x88: {  	v15 =	vld.idx.msk [tilespmem:v34+s3+$0x0], $0xffff;
	(pc) =	sbr.rel @p1 .LBB2_3-.Ltmp0, $4  }
0x89: {  	v21 =	vand.u32 $0xFFFF0000, v14;
	v20 =	vld.idx.msk [tilespmem:v27+s3+$0x0], $0xffff  }
0x8a: {  	v28 =	vshll.u32 v14, $0x10;
	v3 =	vand.u32 $0xFFFF0000, v40;
	v4 =	vand.u32 $0xFFFF0000, v13;
	v23 =	vld.idx.msk [tilespmem:v31+s3+$0x0], $0xffff  }
0x8b: {  	v16 =	vshll.u32 v40, $0x10;
	v14 =	vshll.u32 v13, $0x10;
	v7 =	vand.u32 $0xFFFF0000, v38;
	v30 =	vld.idx.msk [tilespmem:v37+s3+$0x0], $0xffff  }
0x8c: {  	s12 =	sadd.s32 $0x80, s12;
	s14 =	sadd.s32 $0x100, s14;
	v13 =	vshll.u32 v38, $0x10;
	v8 =	vand.u32 $0xFFFF0000, v24;
	v10 =	vand.u32 $0xFFFF0000, v29;
	v27 =	vld.idx.msk [tilespmem:v35+s3+$0x0], $0xffff  }
0x8d: {  	_ = 	snop  }
0x8e: {  	v5 =	vand.u32 $0xFFFF0000, v25  }
0x8f: {  	v29 =	vshll.u32 v29, $0x10;
	v24 =	vshll.u32 v24, $0x10;
	v31 =	vand.u32 $0xFFFF0000, v26  }
0x90: {  	v32 =	vand.u32 $0xFFFF0000, v22;
	v25 =	vshll.u32 v25, $0x10;
	v33 =	vand.u32 $0xFFFF0000, v15  }
0x91: {  	v17 =	vld.idx.msk [tilespmem:v17+s3+$0x0], $0xffff;
	v54 =	vshll.u32 v26, $0x10;
	v55 =	vshll.u32 v22, $0x10;
	v6 =	vmul.f32 v28, v6  }
0x92: {  	v19 =	vld.idx.msk [tilespmem:v19+s3+$0x0], $0xffff;
	v46 =	vshll.u32 v15, $0x10;
	v36 =	vand.u32 $0xFFFF0000, v20;
	v43 =	vshll.u32 v20, $0x10  }
0x93: {  	v35 =	vld.idx.msk [tilespmem:v2+s10+$0x0 ss:$0x1], $0xffff;
	v34 =	vand.u32 $0xFFFF0000, v23;
	v58 =	vshll.u32 v23, $0x10;
	v6 =	vadd.f32 v21, v6  }
0x94: {  	v56 =	vand.u32 $0xFFFF0000, v30;
	v57 =	vshll.u32 v30, $0x10;
	v37 =	vshll.u32 v27, $0x10  }
0x95: {  	v38 =	vld.idx.msk [tilespmem:v2+s8+$0x0 ss:$0x1], $0xffff;
	v60 =	vand.u32 $0xFFFF0000, v27;
	vm0 =	veq.f32 v6, $+Inf;
	v12 =	vmul.f32 v37, v12  }
0x96: {  	v62 =	vld.idx.msk [tilespmem:v2+s7+$0x0 ss:$0x1], $0xffff;
	v39 =	vmax.f32 v18, v6;
	v6 =	vmin.f32 v9, v6;
	v59 =	vshll.u32 v17, $0x10  }
0x97: {  	v63 =	vld.idx.msk [tilespmem:v2+s5+$0x0 ss:$0x1], $0xffff;
	v61 =	vshll.u32 v19, $0x10;
	v11 =	vmul.f32 v59, v11;
	v12 =	vadd.f32 v60, v12  }
0x98: {  	v40 =	vld.idx.msk [tilespmem:v2+s31+$0x0 ss:$0x1], $0xffff;
	v18 =	vsel vm0, v18, v39;
	v17 =	vand.u32 $0xFFFF0000, v17;
	v21 =	vmul.f32 v61, v35  }
0x99: {  	v41 =	vld.idx.msk [tilespmem:v2+s4+$0x0 ss:$0x1], $0xffff;
	v11 =	vadd.f32 v17, v11;
	vm13 =	veq.f32 v12, $+Inf;
	v39 =	vmax.f32 v18, v12  }
0x9a: {  	v44 =	vld.idx.msk [tilespmem:v2+s30+$0x0 ss:$0x1], $0xffff;
	v19 =	vand.u32 $0xFFFF0000, v19;
	v30 =	vmul.f32 v57, v38;
	v18 =	vsel vm13, v18, v39  }
0x9b: {  	v45 =	vld.idx.msk [tilespmem:v2+s29+$0x0 ss:$0x1], $0xffff;
	v19 =	vadd.f32 v19, v21;
	vm14 =	veq.f32 v11, $+Inf;
	v42 =	vmax.f32 v18, v11  }
0x9c: {  	v47 =	vld.idx.msk [tilespmem:v2+s26+$0x0 ss:$0x1], $0xffff;
	v23 =	vmul.f32 v58, v62;
	v20 =	vmul.f32 v43, v63;
	v18 =	vsel vm14, v18, v42  }
0x9d: {  	v48 =	vld.idx.msk [tilespmem:v2+s0+$0x0 ss:$0x1], $0xffff;
	v28 =	vadd.f32 v56, v30;
	vm15 =	veq.f32 v19, $+Inf;
	v38 =	vmax.f32 v18, v19  }
0x9e: {  	v16 =	vmul.f32 v16, v40;
	v15 =	vmul.f32 v46, v41;
	v18 =	vsel vm15, v18, v38  }
0x9f: {  	v50 =	vld.idx.msk [tilespmem:v2+s25+$0x0 ss:$0x1], $0xffff;
	v23 =	vadd.f32 v34, v23;
	vm4 =	veq.f32 v28, $+Inf;
	v38 =	vmax.f32 v18, v28  }
0xa0: {  	v49 =	vld.idx.msk [tilespmem:v2+s28+$0x0 ss:$0x1], $0xffff;
	v14 =	vmul.f32 v14, v44;
	v13 =	vmul.f32 v13, v45;
	v18 =	vsel vm4, v18, v38  }
0xa1: {  	v2 =	vld.idx.msk [tilespmem:v2+s24+$0x0 ss:$0x1], $0xffff;
	v20 =	vadd.f32 v36, v20;
	vm5 =	veq.f32 v23, $+Inf;
	v51 =	vmax.f32 v18, v23  }
0xa2: {  	v26 =	vmul.f32 v54, v48;
	v24 =	vmul.f32 v24, v47;
	v18 =	vsel vm5, v18, v51  }
0xa3: {  	v15 =	vadd.f32 v33, v15;
	vm6 =	veq.f32 v20, $+Inf;
	v52 =	vmax.f32 v18, v20  }
0xa4: {  	v53 =	vmul.f32 v29, v50;
	v26 =	vadd.f32 v31, v26;
	v18 =	vsel vm6, v18, v52  }
0xa5: {  	v17 =	vmul.f32 v55, v49;
	vm7 =	veq.f32 v15, $+Inf;
	v21 =	vmax.f32 v18, v15  }
0xa6: {  	v2 =	vmul.f32 v25, v2;
	vm8 =	veq.f32 v26, $+Inf;
	v18 =	vsel vm7, v18, v21  }
0xa7: {  	v6 =	vmin.f32 v6, v12;
	v17 =	vadd.f32 v32, v17;
	v54 =	vmax.f32 v18, v26  }
0xa8: {  	v2 =	vadd.f32 v5, v2;
	v55 =	vmin.f32 v6, v11;
	v9 =	vsel vm8, v18, v54  }
0xa9: {  	v5 =	vmin.f32 v55, v19;
	vm9 =	veq.f32 v17, $+Inf;
	v56 =	vmax.f32 v9, v17  }
0xaa: {  	v57 =	vadd.f32 v10, v53;
	v5 =	vmin.f32 v5, v28;
	v6 =	vsel vm9, v9, v56  }
0xab: {  	vm10 =	veq.f32 v2, $+Inf;
	v5 =	vmin.f32 v5, v23;
	v58 =	vmax.f32 v6, v2  }
0xac: {  	v8 =	vadd.f32 v8, v24;
	v5 =	vmin.f32 v5, v20;
	v6 =	vsel vm10, v6, v58  }
0xad: {  	vm11 =	veq.f32 v57, $+Inf;
	v5 =	vmin.f32 v5, v15;
	v10 =	vmax.f32 v6, v57  }
0xae: {  	v7 =	vadd.f32 v7, v13;
	v5 =	vmin.f32 v5, v26;
	v6 =	vsel vm11, v6, v10  }
0xaf: {  	vm12 =	veq.f32 v8, $+Inf;
	v5 =	vmin.f32 v5, v17;
	v10 =	vmax.f32 v6, v8  }
0xb0: {  	v4 =	vadd.f32 v4, v14;
	v2 =	vmin.f32 v5, v2;
	v6 =	vsel vm12, v6, v10  }
0xb1: {  	v60 =	vld [tilespmem:$0x100];
	vm13 =	veq.f32 v7, $+Inf;
	v2 =	vmin.f32 v2, v57;
	v59 =	vmax.f32 v6, v7  }
0xb2: {  	p1 =	sne.s32 s22, s21;
	v61 =	vld [tilespmem:$0x110];
	v3 =	vadd.f32 v3, v16;
	v2 =	vmin.f32 v2, v8;
	v5 =	vsel vm13, v6, v59  }
0xb3: {  	s0 =	simm.s32 $0x1;
	s20 =	sadd.s32 $0x1, s20;
	p0 =	por p0, p1;
	vm14 =	veq.f32 v4, $+Inf;
	v2 =	vmin.f32 v2, v7;
	v62 =	vmax.f32 v5, v4  }
0xb4: {  	s0 =	simm.s32 @!p0 $0x0;
	p0 =	sne.s32 s20, $0x20;
	v2 =	vmin.f32 v2, v4;
	v5 =	vsel vm14, v5, v62  }
.Ltmp1:
0xb5: {  	vm15 =	veq.f32 v3, $+Inf;
	v2 =	vmin.f32 v2, v3;
	v63 =	vmax.f32 v5, v3;
	(pc) =	sbr.rel @p0 .LBB2_2-.Ltmp1, $4  }
0xb6: {  	v2 =	vmin.f32 v60, v2;
	v3 =	vsel vm15, v5, v63  }
0xb7: {  	[tilespmem:$0x100] =	vst v2;
	v2 =	vmax.f32 v61, v3  }
0xb8: {  	s17 =	sadd.s32 s17, s23;
	s22 =	smov.u32 s21;
	[tilespmem:$0x110] =	vst v2  }
0xb9: {  	s18 =	sadd.s32 s0, s18;
	s16 =	sadd.s32 s0, s16;
	_ =	strace $0x9000004D  }
0xba: {  	s0 =	rddreg [dreg:$0x8];
	s4 =	simm.s32 $0x100  }
0xbb: {  	[hbm4b:s0+s3] =	stream.linear.scatter [tilespmem:s4], [sflag:$0x1], $0x80, $0x38;
	[tilespmem:$0x10180] =	vst v63  }
0xbc: {  	s4 =	simm.s32 $0x1  }
0xbd: {  	_ =	swait.ge [sflag:s4], $0x80  }
0xbe: {  	s5 =	rddreg [dreg:$0xa]  }
0xbf: {  	s31 =	rddreg [dreg:$0x9];
	s5 =	sadd.s32 $0x1, s5  }
0xc0: {  	p0 =	sne.s32 s5, s31  }
.Ltmp2:
0xc1: {  	_ = 	snop;
	(pc) =	sbr.rel @p0 .LBB2_1-.Ltmp2, $3  }
0xc2: {  	_ =	sdelay $0x1  }
0xc3: {  	[sflag:s4] =	ssyncset.done $0x0  }
0xc4: {  	[sflag:s4] =	ssyncadd.s32 $0xFFFFFF80  }
0xc5: {  	_ =	sfence.sel $0x180000  }
0xc6: {  	[bflag:$0x0] =	sbarrier.arrive $0xFFFF  }
0xc7: {  	_ =	strace $0x90000047  }
0xc8: {  	s0 =	stileid.u32;
	[bflag:$0x2] =	sbarrier.arrive $0xFFFF  }
0xc9: {  	p0 =	sne.s32 s0, $0x0;
	s0 =	rddreg [dreg:$0x4]  }
0xca: {  	s0 =	sadd.s32 @!p0 $0x100000, s0  }
0xcb: {  	[sflag:s0] =	ssyncadd.tile.s32 @!p0 $0x1;
	_ =	shalt  }
.Lfunc_end2:
_tile_overlayer_lowered:
.L_overlay_start_2:
0xcc: {  	(tag) =	ssettag $0x2  }
0xcd: {  	s0 =	rddreg [dreg:$0x0];
	s2 =	stileid.u32  }
0xce: {  	s1 =	rddreg [dreg:$0x1];
	p0 =	sne.s32 s2, $0x0  }
0xcf: {  	s3 =	rddreg [dreg:$0x2];
	[bflag:$0x3] =	sbarrier.arrive $0xFFFF;
	s2 =	simm.s32 @!p0 $0x1C01  }
0xd0: {  	[timem:s3], [sflag:s2] =	dma.local @!p0 [hbm:s0], s1  }
0xd1: {  	s0 =	simm.s32 @!p0 $0x1  }
0xd2: {  	_ =	swait.ge @!p0 [sflag:s0], s1  }
0xd3: {  	s1 =	ssub.s32 @!p0 $0x0, s1;
	[sflag:s0] =	ssyncset.done @!p0 $0x0  }
0xd4: {  	[sflag:s0] =	ssyncadd.s32 @!p0 s1  }
0xd5: {  	[bflag:$0x3] =	sbarrier.arrive $0xFFFF  }
0xd6: {  	_ =	shalt  }

// kernel: kernel.8.cloned.1.call-start
scs
__scs_entry_jumppad:
0x0: {  	(pc) =	sbr.rel $0x88, $3  }
0x1: {  	(tag) =	ssettag $0x0;
	lr =	simm.s32 $0x1  }
0x2: {  	[smem:$0x3F9D] =	sst lr;
	_ =	strace $0xD0000000  }
0x3: {  	_ = 	snop  }
0x4: {  	_ = 	snop  }
0x5: {  	_ = 	snop  }
0x6: {  	_ = 	snop  }
0x7: {  	_ = 	snop  }
__scs_overlays_trampoline_lowered:
0x8: {  	[smem:$0x3FAC] =	sst s0  }
0x9: {  	[smem:$0x3FAD] =	sst s1  }
0xa: {  	[smem:$0x3FAE] =	sst s2  }
0xb: {  	[smem:$0x3FAF] =	sst s3  }
0xc: {  	[smem:$0x3FB0] =	sst s4  }
0xd: {  	[smem:$0x3FB1] =	sst s5  }
0xe: {  	[smem:$0x3FB2] =	sst s6  }
0xf: {  	[smem:$0x3FB3] =	sst s7  }
0x10: {  	[smem:$0x3FB4] =	sst s8  }
0x11: {  	[smem:$0x3FB5] =	sst s9;
	s0 =	simm.s32 @!p0 $0x0  }
0x12: {  	s1 =	sld [smem:$0x3F9B];
	s0 =	simm.s32 @p0 $0x1  }
0x13: {  	[smem:$0x3FB6] =	sst s0;
	s0 =	simm.s32 @!p1 $0x0  }
0x14: {  	s2 =	sld [smem:$0x3F9A];
	s0 =	simm.s32 @p1 $0x1  }
0x15: {  	[smem:$0x3FB7] =	sst s0;
	s0 =	simm.s32 @!p2 $0x0  }
0x16: {  	s3 =	sld [smem:$0x3FDB];
	s0 =	simm.s32 @p2 $0x1  }
0x17: {  	s4 =	simm.s32 $0x1BF5;
	[smem:$0x3FB9] =	sst s0  }
0x18: {  	s0 =	sld [smem:$0x3F9C];
	_ =	swait.ge [sflag:s4], $0x0  }
0x19: {  	s7 =	sld [smem:$0x3F9D]  }
0x1a: {  	s8 =	sadd.s32 $0xFFFFE003, lr  }
0x1b: {  	s9 =	sadd.s32 $0xFFFFFEF7, lr;
	s5 =	simm.s32 $0xFFFFFFFF;
	p2 =	slt.u32 s8, $0xFFFFF086  }
0x1c: {  	p1 =	slt.u32 s9, $0xF7A;
	s5 =	simm.s32 @!p2 $0x0  }
0x1d: {  	s5 =	simm.s32 @p1 $0x1;
	p0 =	seq.s32 s7, s2  }
0x1e: {  	s7 =	smul.u32 @!p0 $0xF7A, s2;
	p2 =	seq.s32 @!p0 s5, $0x0  }
0x1f: {  	s9 =	smul.u32 $0xF7A, s1;
	s8 =	simm.s32 @!p0 $0x1BF5;
	p2 =	por !p2, p0  }
0x20: {  	[sflag:s8] =	ssyncset.s32 @!p0 $0xFFFFF086;
	s6 =	sadd.s32 @!p0 s3, s7;
	s7 =	simm.s32 @!p0 $0x108  }
0x21: {  	s3 =	sadd.s32 s3, s9;
	s6 =	sadd.s32 @!p0 $0x88, s6;
	s7 =	simm.s32 @p2 $0x1082  }
0x22: {  	[simem:s7], [sflag:s8] =	dma.local @!p0 [hbm:s6], $0xF7A  }
0x23: {  	s9 =	sor.u32 $0xD0000000, s2;
	s6 =	simm.s32 $0x108;
	_ =	swait.ge @!p0 [sflag:s8], $0x0  }
0x24: {  	s3 =	sadd.s32 $0x88, s3;
	s6 =	simm.s32 @!p1 $0x1082;
	[sflag:s4] =	ssyncset.s32 $0xFFFFF086  }
0x25: {  	[simem:s6], [sflag:s4] =	dma.local [hbm:s3], $0xF7A  }
0x26: {  	[smem:$0x3F9D] =	sst s1;
	(tag) =	ssettag s2;
	_ =	strace s9  }
0x27: {  	s1 =	sld [smem:$0x3FAD]  }
0x28: {  	s2 =	sld [smem:$0x3FAE]  }
0x29: {  	s4 =	sld [smem:$0x3FB0]  }
0x2a: {  	p0 =	seq.s32 s5, $0x0;
	s5 =	sld [smem:$0x3FB1]  }
0x2b: {  	s6 =	sld [smem:$0x3FB2]  }
0x2c: {  	s7 =	sld [smem:$0x3FB3]  }
0x2d: {  	s3 =	simm.s32 $0x108;
	s8 =	sld [smem:$0x3FB4]  }
0x2e: {  	s3 =	simm.s32 @!p0 $0x1082;
	s9 =	sld [smem:$0x3FB5]  }
0x2f: {  	lr =	sadd.s32 s0, s3;
	s0 =	sld [smem:$0x3FAC]  }
0x30: {  	s3 =	sld [smem:$0x3FAF]  }
0x31: {  	[smem:$0x3FB8] =	sst s10  }
0x32: {  	s10 =	sld [smem:$0x3FB6];
	_ =	sdelay $0x3  }
0x33: {  	p0 =	seq.s32 s10, $0x1;
	s10 =	sld [smem:$0x3FB8];
	_ =	sdelay $0x3  }
0x34: {  	[smem:$0x3FB8] =	sst s10  }
0x35: {  	s10 =	sld [smem:$0x3FB7];
	_ =	sdelay $0x3  }
0x36: {  	p1 =	seq.s32 s10, $0x1;
	s10 =	sld [smem:$0x3FB8];
	_ =	sdelay $0x3  }
0x37: {  	[smem:$0x3FB8] =	sst s10  }
0x38: {  	s10 =	sld [smem:$0x3FB9]  }
0x39: {  	_ = 	snop;
	(pc) =	sbr.ind lr, $3  }
0x3a: {  	_ = 	snop  }
0x3b: {  	_ = 	snop  }
0x3c: {  	p2 =	seq.s32 s10, $0x1;
	s10 =	sld [smem:$0x3FB8]  }
0x3d: {  	_ =	shalt  }
0x3e: {  	_ =	shalt  }
0x3f: {  	_ =	shalt  }
0x40: {  	_ =	shalt  }
0x41: {  	_ =	shalt  }
0x42: {  	_ =	shalt  }
0x43: {  	_ =	shalt  }
0x44: {  	_ =	shalt  }
0x45: {  	_ =	shalt  }
0x46: {  	_ =	shalt  }
0x47: {  	_ =	shalt  }
0x48: {  	_ =	shalt  }
0x49: {  	_ =	shalt  }
0x4a: {  	_ =	shalt  }
0x4b: {  	_ =	shalt  }
0x4c: {  	_ =	shalt  }
0x4d: {  	_ =	shalt  }
0x4e: {  	_ =	shalt  }
0x4f: {  	_ =	shalt  }
0x50: {  	_ =	shalt  }
0x51: {  	_ =	shalt  }
0x52: {  	_ =	shalt  }
0x53: {  	_ =	shalt  }
0x54: {  	_ =	shalt  }
0x55: {  	_ =	shalt  }
0x56: {  	_ =	shalt  }
0x57: {  	_ =	shalt  }
0x58: {  	_ =	shalt  }
0x59: {  	_ =	shalt  }
0x5a: {  	_ =	shalt  }
0x5b: {  	_ =	shalt  }
0x5c: {  	_ =	shalt  }
0x5d: {  	_ =	shalt  }
0x5e: {  	_ =	shalt  }
0x5f: {  	_ =	shalt  }
0x60: {  	_ =	shalt  }
0x61: {  	_ =	shalt  }
0x62: {  	_ =	shalt  }
0x63: {  	_ =	shalt  }
0x64: {  	_ =	shalt  }
0x65: {  	_ =	shalt  }
0x66: {  	_ =	shalt  }
0x67: {  	_ =	shalt  }
0x68: {  	_ =	shalt  }
0x69: {  	_ =	shalt  }
0x6a: {  	_ =	shalt  }
0x6b: {  	_ =	shalt  }
0x6c: {  	_ =	shalt  }
0x6d: {  	_ =	shalt  }
0x6e: {  	_ =	shalt  }
0x6f: {  	_ =	shalt  }
0x70: {  	_ =	shalt  }
0x71: {  	_ =	shalt  }
0x72: {  	_ =	shalt  }
0x73: {  	_ =	shalt  }
0x74: {  	_ =	shalt  }
0x75: {  	_ =	shalt  }
0x76: {  	_ =	shalt  }
0x77: {  	_ =	shalt  }
0x78: {  	_ =	shalt  }
0x79: {  	_ =	shalt  }
0x7a: {  	_ =	shalt  }
0x7b: {  	_ =	shalt  }
0x7c: {  	_ =	shalt  }
0x7d: {  	_ =	shalt  }
0x7e: {  	_ =	shalt  }
0x7f: {  	_ =	shalt  }
0x80: {  	_ =	shalt  }
0x81: {  	_ =	shalt  }
0x82: {  	_ =	shalt  }
0x83: {  	_ =	shalt  }
0x84: {  	_ =	shalt  }
0x85: {  	_ =	shalt  }
0x86: {  	_ =	shalt  }
0x87: {  	_ =	shalt  }
.Lfunc_end0:
.L_simem_size_0:
called_computation.1_lowered:
.L_overlay_start_0:
0x88: {  	s2 =	sld [smem:$0x3FD9]  }
0x89: {  	s3 =	sld [smem:$0x3FFE];
	_ =	sdelay $0x1  }
0x8a: {  	s1 =	srdreg.scid  }
0x8b: {  	s0 =	sand.u32 $0x1, s1  }
0x8c: {  	s17 =	sshll.u32 s0, $0xA;
	s2 =	sadd.s32 s3, s2  }
0x8d: {  	s2 =	sadd.s32 s2, s17  }
0x8e: {  	[smem:$0x3FC4] =	sst s2  }
0x8f: {  	_ = 	snop  }
0x90: {  	s2 =	sld [smem:$0x3FC9]  }
0x91: {  	s18 =	sld [smem:$0x3FC6]  }
0x92: {  	s4 =	sld [smem:$0x3FD0];
	(tm) =	ssettm $0x1  }
0x93: {  	s5 =	sld [smem:$0x3FFB];
	_ =	sdelay $0x3  }
0x94: {  	_ =	strace s5  }
0x95: {  	s5 =	sld [smem:$0x3FFC];
	_ =	sdelay $0x3  }
0x96: {  	_ =	strace s5  }
0x97: {  	s5 =	sld [smem:$0x3FFD];
	_ =	sdelay $0x3  }
0x98: {  	_ =	strace s5  }
0x99: {  	_ =	strace $0x8FFFFFFF  }
0x9a: {  	s19 =	sld [smem:$0x3FDB];
	_ =	sdelay $0x1  }
0x9b: {  	s6 =	simm.s32 $_scs_section_size  }
0x9c: {  	s7 =	simm.s32 $_size__tile_overlayer_lowered;
	s8 =	simm.s32 $_tile_overlayer_lowered  }
0x9d: {  	s22 =	simm.s32 $0x1BFF;
	s21 =	sshll.u32 s8, $0x1;
	s5 =	sadd.s32 s6, s19  }
0x9e: {  	s9 =	simm.s32 $0x0;
	s20 =	sshll.u32 s7, $0x1;
	s7 =	sadd.s32 s21, s5  }
0x9f: {  	[timem:s9], [sflag:s22] =	dma.local [hbm:s7], s20  }
0xa0: {  	_ =	swait.ge [sflag:s22], s20  }
0xa1: {  	s6 =	ssub.s32 $0x0, s20;
	[sflag:s22] =	ssyncset.done $0x0  }
0xa2: {  	[sflag:s22] =	ssyncadd.s32 s6;
	_ =	sdelay $0x1  }
0xa3: {  	s23 =	simm.s32 $0x1B8B  }
0xa4: {  	_ =	swait.ge [sflag:s23], $0x1  }
0xa5: {  	[sflag:s23] =	ssyncset.done $0x0  }
0xa6: {  	s25 =	simm.s32 $0x1B8E;
	s24 =	sld [smem:$0x3FFE];
	[sflag:s23] =	ssyncadd.s32 $0xFFFFFFFF  }
0xa7: {  	s26 =	simm.s32 $execute0_lowered;
	[smem:$0x3FD2] =	sst s25  }
0xa8: {  	s7 =	sshll.u32 s26, $0x1;
	_ =	strace $0x8000004F;
	[dreg:$0x1] =	wrdreg $0xFFFFFFFF  }
0xa9: {  	s28 =	simm.s32 $_size_execute0_lowered;
	s5 =	sadd.s32 s5, s7;
	[dreg:$0x0] =	wrdreg $0x0  }
0xaa: {  	s7 =	sshll.u32 s28, $0x1;
	[dreg:$0x2] =	wrdreg s5  }
0xab: {  	[dreg:$0x3] =	wrdreg s7  }
0xac: {  	[dreg:$0x4] =	wrdreg $0xC0  }
0xad: {  	_ =	task [dreg:s9], $0x5FFFF  }
0xae: {  	[dreg:$0x1] =	wrdreg $0xFFFFFFFF  }
0xaf: {  	[dreg:$0x0] =	wrdreg $0x60  }
0xb0: {  	[dreg:$0x2] =	wrdreg s24  }
0xb1: {  	[dreg:$0x3] =	wrdreg s2  }
0xb2: {  	[dreg:$0x4] =	wrdreg s18  }
0xb3: {  	[dreg:$0x5] =	wrdreg s4  }
0xb4: {  	[dreg:$0x6] =	wrdreg $0x9  }
0xb5: {  	_ =	task.clear_ibuf [dreg:s9], $0x7FFFF;
	_ =	strace $0x9000004F  }
0xb6: {  	s29 =	simm.s32 $0x9;
	_ =	strace $0x8000005A  }
0xb7: {  	_ =	swait.ge [sflag:s29], $0x1  }
0xb8: {  	[sflag:s29] =	ssyncadd.s32 $0xFFFFFFFF  }
0xb9: {  	_ =	strace $0x9000005A  }
0xba: {  	_ =	sfence  }
0xbb: {  	s30 =	sld [smem:$0x0];
	_ =	sdelay $0x2  }
0xbc: {  	s31 =	sshll.u32 s1, $0xD;
	s1 =	sshrl.u32 s1, $0x2  }
0xbd: {  	s3 =	sand.u32 $0x4000, s31;
	s1 =	sadd.s32 s1, s30  }
0xbe: {  	s0 =	sor.u32 s3, s0;
	s1 =	sshll.u32 s1, $0x11  }
0xbf: {  	s0 =	sor.u32 s1, s0  }
0xc0: {  	s0 =	sadd.s32 $0x8F2B, s0  }
0xc1: {  	[sflag:s0] =	ssyncadd.remote.s32 $0x1  }
0xc2: {  	_ =	sfence.sel $0xFFFF  }
0xc3: {  	[dreg:$0x0] =	wrdreg $0xFFFFFFFF;
	(pc) =	sbr.abs _section_cstart, $3  }
0xc4: {  	[dreg:$0x1] =	wrdreg $0xFFFFFFFF  }
0xc5: {  	_ =	task.clear_ibuf [dreg:s9], $0x2FFFF;
	_ =	strace $0x9FFFFFFF  }
0xc6: {  	(tm) =	ssettm $0x7FFFFFFF  }
0xc7: {  	_ =	shalt  }
tec
execute0_lowered:
.L_overlay_start_1:
0x0: {  	(tag) =	ssettag $0x1  }
0x1: {  	s0 =	rddreg [dreg:$0x0]  }
0x2: {  	s4 =	rddreg [dreg:$0x1]  }
0x3: {  	s6 =	rddreg [dreg:$0x2];
	s1 =	srdreg.scid  }
0x4: {  	s5 =	simm.s32 $0x0;
	s7 =	stileid.u32;
	s1 =	sand.u32 $0x1, s1  }
0x5: {  	[smem:$0x7FF] =	sst s5;
	s2 =	ssub.s32 $0x2, s1;
	s1 =	sshll.u32 s1, $0x4  }
0x6: {  	s0 =	sadd.s32 $0x1000, s0;
	_ =	strace $0x80000050;
	s1 =	sor.u32 s7, s1  }
0x7: {  	[dreg:$0x5] =	wrdreg s0;
	s29 =	sshll.u32 s1, $0x10;
	s1 =	sshll.u32 s1, $0x5  }
0x8: {  	s3 =	sshrl.u32 s2, $0x1;
	[dreg:$0x6] =	wrdreg s1;
	s30 =	sadd.s32 s4, s29  }
0x9: {  	s28 =	ssub.s32 s2, s3;
	s31 =	sadd.s32 s6, s29;
	[dreg:$0x7] =	wrdreg s30  }
0xa: {  	s0 =	smax.u32 s28, $0x1;
	[dreg:$0x8] =	wrdreg s31  }
0xb: {  	s1 =	simm.s32 $0x0;
	[dreg:$0x9] =	wrdreg s0  }
.LBB2_1:
0xc: {  	[dreg:$0xa] =	wrdreg s1  }
0xd: {  	s0 =	rddreg [dreg:$0x5];
	s26 =	simm.s32 $0x1  }
0xe: {  	[tilespmem:s5], [sflag:$0x1] =	stream.linear.gather [hbm4b:s0+s5], $0x100, $0x38;
	[tilespmem:$0x18100] =	vst v63  }
0xf: {  	_ =	swait.ge [sflag:s26], $0x100  }
0x10: {  	[sflag:s26] =	ssyncset.done $0x0  }
0x11: {  	s29 =	simm.s32 $0x100;
	s31 =	simm.s32 $0x8100;
	[sflag:s26] =	ssyncadd.s32 $0xFFFFFF00  }
0x12: {  	s16 =	simm.s32 $0x0;
	s2 =	simm.s32 $0x0;
	_ =	strace $0x80000051  }
0x13: {  	s11 =	simm.s32 $0x0;
	s18 =	simm.s32 $0x0;
	s28 =	rddreg [dreg:$0x7]  }
0x14: {  	[tilespmem:s29], [sflag:$0x1] =	stream.linear.gather [hbm4b:s28+s5], $0x4000, $0x200038;
	[tilespmem:$0x18100] =	vst v63  }
0x15: {  	s7 =	simm.s32 $0x1;
	s20 =	simm.s32 $0x0;
	s30 =	rddreg [dreg:$0x8]  }
0x16: {  	[tilespmem:s31], [sflag:$0x3] =	stream.linear.gather [hbm4b:s30+s5], $0x4000, $0x200038;
	[tilespmem:$0x18100] =	vst v63  }
0x17: {  	s15 =	simm.s32 $0x1;
	s22 =	simm.s32 $0x0;
	_ =	strace $0x90000051  }
.LBB2_2:
0x18: {  	s23 =	sadd.s32 $0x1, s16  }
0x19: {  	p0 =	seq.s32 s23, $0x20  }
0x1a: {  	s23 =	simm.s32 @p0 $0x0;
	p0 =	seq.s32 s22, $0x1F  }
0x1b: {  	p1 =	seq.s32 @!p0 s16, s23  }
0x1c: {  	s14 =	rddreg [dreg:$0x6];
	p2 =	por p1, p0  }
0x1d: {  	[dreg:$0xb] =	wrdreg s2;
	s0 =	sadd.s32 @!p2 s14, s23;
	s2 =	sand.u32 @!p2 $0x1, s15  }
0x1e: {  	_ =	strace @!p2 $0x80000052;
	s6 =	simm.s32 @!p2 $0x0;
	s0 =	sshll.u32 @!p2 s0, $0xB  }
0x1f: {  	s3 =	sshll.u32 @!p2 s2, $0xE;
	s4 =	rddreg [dreg:$0x1];
	s0 =	sand.u32 @!p2 $0x1FFFF800, s0  }
0x20: {  	s2 =	sadd.s32 @!p2 $0x1, s2;
	s3 =	sor.u32 @!p2 $0x100, s3;
	s4 =	sadd.s32 @!p2 s4, s0  }
0x21: {  	[tilespmem:s3], [sflag:s2] =	stream.linear.gather @!p2 [hbm4b:s4+s6], $0x4000, $0x200038;
	[tilespmem:$0x18100] =	vst v63  }
0x22: {  	_ =	strace @!p2 $0x90000052;
	[dreg:$0xd] =	wrdreg s7  }
0x23: {  	s2 =	sand.u32 @!p2 $0x1, s7;
	_ =	strace @!p2 $0x80000053  }
0x24: {  	s3 =	sshll.u32 @!p2 s2, $0xE;
	s4 =	rddreg [dreg:$0x2]  }
0x25: {  	s2 =	sadd.s32 @!p2 $0x3, s2;
	s3 =	sor.u32 @!p2 $0x8100, s3;
	s0 =	sadd.s32 @!p2 s4, s0  }
0x26: {  	[tilespmem:s3], [sflag:s2] =	stream.linear.gather @!p2 [hbm4b:s0+s6], $0x4000, $0x200038;
	[tilespmem:$0x18100] =	vst v63  }
0x27: {  	s8 =	sand.u32 $0x1, s20;
	_ =	strace @!p2 $0x90000053  }
0x28: {  	s0 =	sadd.s32 $0x1, s8;
	_ =	strace $0x80000054  }
0x29: {  	_ =	swait.ge [sflag:s0], $0x4000  }
0x2a: {  	[sflag:s0] =	ssyncset.done $0x0  }
0x2b: {  	s9 =	sshll.u32 s20, $0xE;
	[sflag:s0] =	ssyncadd.s32 $0xFFFFC000  }
0x2c: {  	s10 =	sand.u32 $0x1, s18;
	s0 =	sand.u32 $0x4000, s9;
	_ =	strace $0x90000054  }
0x2d: {  	s2 =	sadd.s32 $0x3, s10;
	s0 =	sor.u32 $0x100, s0;
	_ =	strace $0x80000055  }
0x2e: {  	v0 =	vmov s0;
	_ =	swait.ge [sflag:s2], $0x4000  }
0x2f: {  	[sflag:s2] =	ssyncset.done $0x0  }
0x30: {  	s12 =	simm.s32 $0x0;
	[sflag:s2] =	ssyncadd.s32 $0xFFFFC000  }
0x31: {  	s13 =	sand.u32 $0x3800, s12;
	s0 =	sand.u32 $0x380, s12;
	_ =	strace $0x90000055  }
0x32: {  	s25 =	sor.u32 s0, s13;
	_ =	strace $0x80000056  }
0x33: {  	s13 =	sor.u32 $0x470, s25;
	v3 =	vld.idx.msk [tilespmem:v0+s25+$0x0 ss:$0x1], $0xffff  }
0x34: {  	s17 =	sor.u32 $0x10, s25;
	v2 =	vld.idx.msk [tilespmem:v0+s13+$0x0 ss:$0x1], $0xffff  }
0x35: {  	s21 =	sor.u32 $0x20, s25;
	v4 =	vld.idx.msk [tilespmem:v0+s17+$0x0 ss:$0x1], $0xffff  }
0x36: {  	s2 =	sor.u32 $0x30, s25;
	v5 =	vld.idx.msk [tilespmem:v0+s21+$0x0 ss:$0x1], $0xffff  }
0x37: {  	s10 =	sor.u32 $0x40, s25;
	v6 =	vld.idx.msk [tilespmem:v0+s2+$0x0 ss:$0x1], $0xffff  }
0x38: {  	s9 =	sor.u32 $0x50, s25;
	v7 =	vld.idx.msk [tilespmem:v0+s10+$0x0 ss:$0x1], $0xffff  }
0x39: {  	s19 =	sshll.u32 s18, $0xE;
	s8 =	sor.u32 $0x60, s25;
	v8 =	vld.idx.msk [tilespmem:v0+s9+$0x0 ss:$0x1], $0xffff  }
0x3a: {  	s0 =	sand.u32 $0x4000, s19;
	s12 =	sor.u32 $0x70, s25;
	v9 =	vld.idx.msk [tilespmem:v0+s8+$0x0 ss:$0x1], $0xffff  }
0x3b: {  	s0 =	sor.u32 $0x8100, s0;
	s4 =	sor.u32 $0x400, s25;
	v10 =	vld.idx.msk [tilespmem:v0+s12+$0x0 ss:$0x1], $0xffff  }
0x3c: {  	v1 =	vmov s0;
	s0 =	sor.u32 $0x410, s25;
	v12 =	vld.idx.msk [tilespmem:v0+s4+$0x0 ss:$0x1], $0xffff  }
0x3d: {  	s6 =	sor.u32 $0x420, s25;
	v13 =	vld.idx.msk [tilespmem:v0+s0+$0x0 ss:$0x1], $0xffff  }
0x3e: {  	s30 =	sor.u32 $0x430, s25;
	v14 =	vld.idx.msk [tilespmem:v0+s6+$0x0 ss:$0x1], $0xffff  }
0x3f: {  	s29 =	sor.u32 $0x440, s25;
	v15 =	vld.idx.msk [tilespmem:v0+s30+$0x0 ss:$0x1], $0xffff  }
0x40: {  	s26 =	sor.u32 $0x450, s25;
	v16 =	vld.idx.msk [tilespmem:v0+s29+$0x0 ss:$0x1], $0xffff  }
0x41: {  	s28 =	sor.u32 $0x460, s25;
	v17 =	vld.idx.msk [tilespmem:v0+s26+$0x0 ss:$0x1], $0xffff  }
0x42: {  	v18 =	vld.idx.msk [tilespmem:v0+s28+$0x0 ss:$0x1], $0xffff  }
0x43: {  	v11 =	vld.idx.msk [tilespmem:v1+s13+$0x0 ss:$0x1], $0xffff  }
0x44: {  	v2 =	vld.idx.msk [tilespmem:v2+s5+$0x0], $0xffff  }
0x45: {  	v4 =	vld.idx.msk [tilespmem:v4+s5+$0x0], $0xffff  }
0x46: {  	v5 =	vld.idx.msk [tilespmem:v5+s5+$0x0], $0xffff  }
0x47: {  	v6 =	vld.idx.msk [tilespmem:v6+s5+$0x0], $0xffff  }
0x48: {  	v7 =	vld.idx.msk [tilespmem:v7+s5+$0x0], $0xffff  }
0x49: {  	v8 =	vld.idx.msk [tilespmem:v8+s5+$0x0], $0xffff  }
0x4a: {  	v9 =	vld.idx.msk [tilespmem:v9+s5+$0x0], $0xffff  }
0x4b: {  	v10 =	vld.idx.msk [tilespmem:v10+s5+$0x0], $0xffff  }
0x4c: {  	v12 =	vld.idx.msk [tilespmem:v12+s5+$0x0], $0xffff  }
0x4d: {  	s24 =	sand.u32 $0x1, s11;
	v19 =	vld.idx.msk [tilespmem:v13+s5+$0x0], $0xffff;
	[dreg:$0xc] =	wrdreg s11  }
0x4e: {  	s11 =	sshll.u32 s24, $0xE;
	v14 =	vld.idx.msk [tilespmem:v14+s5+$0x0], $0xffff;
	[dreg:$0x10] =	wrdreg s24  }
0x4f: {  	s11 =	sor.u32 $0x10100, s11;
	v15 =	vld.idx.msk [tilespmem:v15+s5+$0x0], $0xffff  }
0x50: {  	v21 =	vld.idx.msk [tilespmem:v16+s5+$0x0], $0xffff;
	[dreg:$0x11] =	wrdreg s11  }
0x51: {  	v22 =	vld.idx.msk [tilespmem:v17+s5+$0x0], $0xffff  }
0x52: {  	v24 =	vld.idx.msk [tilespmem:v18+s5+$0x0], $0xffff;
	v13 =	vshll.u32 v2, $0x10;
	v23 =	vand.u32 $0xFFFF0000, v4;
	v4 =	vshll.u32 v4, $0x10  }
0x53: {  	v29 =	vld.idx.msk [tilespmem:v3+s5+$0x0], $0xffff;
	v25 =	vand.u32 $0xFFFF0000, v5;
	v26 =	vshll.u32 v5, $0x10;
	v27 =	vand.u32 $0xFFFF0000, v6  }
0x54: {  	v28 =	vshll.u32 v6, $0x10;
	v30 =	vand.u32 $0xFFFF0000, v7;
	v31 =	vshll.u32 v7, $0x10;
	v6 =	vld.idx.msk [tilespmem:v1+s17+$0x0 ss:$0x1], $0xffff  }
0x55: {  	v35 =	vld.idx.msk [tilespmem:v1+s21+$0x0 ss:$0x1], $0xffff;
	v32 =	vand.u32 $0xFFFF0000, v8;
	v33 =	vshll.u32 v8, $0x10;
	v36 =	vshll.u32 v10, $0x10  }
0x56: {  	v37 =	vld.idx.msk [tilespmem:v1+s2+$0x0 ss:$0x1], $0xffff;
	v20 =	vshll.u32 v12, $0x10;
	v11 =	vmul.f32 v13, v11;
	v13 =	vand.u32 $0xFFFF0000, v2  }
0x57: {  	v38 =	vld.idx.msk [tilespmem:v1+s10+$0x0 ss:$0x1], $0xffff;
	v2 =	vmov s11;
	v8 =	vand.u32 $0xFFFF0000, v14;
	v18 =	vshll.u32 v14, $0x10  }
0x58: {  	v39 =	vld.idx.msk [tilespmem:v1+s9+$0x0 ss:$0x1], $0xffff;
	v7 =	vand.u32 $0xFFFF0000, v15;
	v17 =	vshll.u32 v15, $0x10;
	v5 =	vand.u32 $0xFFFF0000, v21  }
0x59: {  	v40 =	vld.idx.msk [tilespmem:v1+s8+$0x0 ss:$0x1], $0xffff;
	v14 =	vshll.u32 v21, $0x10;
	v11 =	vadd.f32 v13, v11;
	v15 =	vmul.f32 v4, v6  }
0x5a: {  	v41 =	vld.idx.msk [tilespmem:v1+s12+$0x0 ss:$0x1], $0xffff;
	v13 =	vand.u32 $0xFFFF0000, v10;
	v10 =	vand.u32 $0xFFFF0000, v12;
	v21 =	vmul.f32 v26, v35  }
0x5b: {  	v3 =	vand.u32 $0xFFFF0000, v22;
	v12 =	vshll.u32 v22, $0x10;
	v26 =	vld.idx.msk [tilespmem:v1+s4+$0x0 ss:$0x1], $0xffff;
	v22 =	vadd.f32 v23, v15  }
0x5c: {  	v25 =	vadd.f32 v25, v21;
	v21 =	vld.idx.msk [tilespmem:v1+s6+$0x0 ss:$0x1], $0xffff;
	[tilespmem:v2+s13+$0x0 ss:$0x1] =	vst.idx.msk $0xffff, v11  }
0x5d: {  	s1 =	smov.u32 s15;
	p1 =	por !p1, p0;
	v16 =	vand.u32 $0xFFFF0000, v9;
	s11 =	sadd.s32 @!p2 $0x1, s15;
	v4 =	vand.u32 $0xFFFF0000, v24;
	v11 =	vshll.u32 v24, $0x10;
	v24 =	vld.idx.msk [tilespmem:v1+s0+$0x0 ss:$0x1], $0xffff;
	[tilespmem:v2+s17+$0x0 ss:$0x1] =	vst.idx.msk $0xffff, v22  }
0x5e: {  	s31 =	sadd.s32 s14, s16;
	v34 =	vshll.u32 v9, $0x10;
	v9 =	vand.u32 $0xFFFF0000, v19;
	s15 =	smov.u32 @p1 s11;
	v23 =	vmul.f32 v28, v37;
	v22 =	vld.idx.msk [tilespmem:v1+s30+$0x0 ss:$0x1], $0xffff;
	[dreg:$0xf] =	wrdreg s16  }
0x5f: {  	v19 =	vshll.u32 v19, $0x10;
	s15 =	smov.u32 @p0 s1;
	v6 =	vand.u32 $0xFFFF0000, v29;
	v28 =	vmul.f32 v31, v38;
	[dreg:$0x12] =	wrdreg s31  }
0x60: {  	s13 =	simm.s32 $0x0;
	v15 =	vshll.u32 v29, $0x10;
	v23 =	vadd.f32 v27, v23;
	v27 =	vmul.f32 v33, v39;
	[dreg:$0xe] =	wrdreg s15  }
0x61: {  	s1 =	simm.s32 $0x80;
	s13 =	simm.s32 @p1 $0x1;
	v29 =	vadd.f32 v30, v28;
	v30 =	vmul.f32 v34, v40;
	[tilespmem:v2+s21+$0x0 ss:$0x1] =	vst.idx.msk $0xffff, v25;
	v25 =	vld.idx.msk [tilespmem:v1+s29+$0x0 ss:$0x1], $0xffff  }
0x62: {  	s13 =	simm.s32 @p0 $0x0;
	v28 =	vmul.f32 v36, v41;
	s15 =	simm.s32 $0x0;
	[tilespmem:v2+s2+$0x0 ss:$0x1] =	vst.idx.msk $0xffff, v23;
	v27 =	vadd.f32 v32, v27;
	v23 =	vld.idx.msk [tilespmem:v1+s26+$0x0 ss:$0x1], $0xffff;
	s2 =	simm.s32 $0x100  }
.LBB2_3:
0x63: {  	s3 =	sand.u32 $0x3800, s2;
	s7 =	sand.u32 $0x380, s1;
	s15 =	sadd.s32 $0x10, s15;
	[tilespmem:v2+s10+$0x0 ss:$0x1] =	vst.idx.msk $0xffff, v29;
	v16 =	vadd.f32 v16, v30;
	v20 =	vmul.f32 v20, v26;
	v26 =	vld.idx.msk [tilespmem:v1+s28+$0x0 ss:$0x1], $0xffff  }
0x64: {  	v24 =	vmul.f32 v19, v24;
	s11 =	sor.u32 s7, s3;
	p1 =	slt.u32 s15, $0x3F0;
	v29 =	vld.idx.msk [tilespmem:v1+s25+$0x0 ss:$0x1], $0xffff;
	[tilespmem:v2+s9+$0x0 ss:$0x1] =	vst.idx.msk $0xffff, v27;
	v13 =	vadd.f32 v13, v28  }
0x65: {  	v19 =	vld.idx.msk [tilespmem:v0+s11+$0x0 ss:$0x1], $0xffff;
	s14 =	sor.u32 $0x10, s11;
	s3 =	sor.u32 $0x20, s11;
	s31 =	sor.u32 $0x470, s11;
	[tilespmem:v2+s8+$0x0 ss:$0x1] =	vst.idx.msk $0xffff, v16;
	v10 =	vadd.f32 v10, v20;
	v16 =	vmul.f32 v18, v21  }
0x66: {  	s7 =	sor.u32 $0x30, s11;
	s10 =	sor.u32 $0x40, s11;
	s9 =	sor.u32 $0x50, s11;
	v9 =	vadd.f32 v9, v24;
	v18 =	vld.idx.msk [tilespmem:v0+s31+$0x0 ss:$0x1], $0xffff;
	[tilespmem:v2+s12+$0x0 ss:$0x1] =	vst.idx.msk $0xffff, v13;
	v13 =	vmul.f32 v17, v22  }
0x67: {  	s8 =	sor.u32 $0x60, s11;
	s12 =	sor.u32 $0x70, s11;
	v17 =	vld.idx.msk [tilespmem:v0+s14+$0x0 ss:$0x1], $0xffff;
	[tilespmem:v2+s4+$0x0 ss:$0x1] =	vst.idx.msk $0xffff, v10;
	s4 =	sor.u32 $0x400, s11;
	v8 =	vadd.f32 v8, v16;
	v10 =	vmul.f32 v14, v25  }
0x68: {  	s21 =	sor.u32 $0x420, s11;
	s16 =	sor.u32 $0x430, s11;
	v14 =	vld.idx.msk [tilespmem:v0+s3+$0x0 ss:$0x1], $0xffff;
	[tilespmem:v2+s0+$0x0 ss:$0x1] =	vst.idx.msk $0xffff, v9;
	s0 =	sor.u32 $0x410, s11;
	v7 =	vadd.f32 v7, v13;
	v9 =	vmul.f32 v12, v23  }
0x69: {  	s17 =	sor.u32 $0x440, s11;
	s19 =	sor.u32 $0x450, s11;
	s24 =	sor.u32 $0x460, s11;
	v12 =	vld.idx.msk [tilespmem:v0+s7+$0x0 ss:$0x1], $0xffff;
	[tilespmem:v2+s6+$0x0 ss:$0x1] =	vst.idx.msk $0xffff, v8;
	v5 =	vadd.f32 v5, v10;
	v8 =	vmul.f32 v11, v26  }
0x6a: {  	v11 =	vmul.f32 v15, v29;
	s6 =	smov.u32 s21;
	v10 =	vld.idx.msk [tilespmem:v0+s10+$0x0 ss:$0x1], $0xffff;
	[tilespmem:v2+s30+$0x0 ss:$0x1] =	vst.idx.msk $0xffff, v7;
	v3 =	vadd.f32 v3, v9;
	s30 =	smov.u32 s16  }
0x6b: {  	v7 =	vld.idx.msk [tilespmem:v0+s9+$0x0 ss:$0x1], $0xffff;
	[tilespmem:v2+s29+$0x0 ss:$0x1] =	vst.idx.msk $0xffff, v5;
	v4 =	vadd.f32 v4, v8;
	s29 =	smov.u32 s17  }
0x6c: {  	v6 =	vadd.f32 v6, v11;
	v5 =	vld.idx.msk [tilespmem:v0+s8+$0x0 ss:$0x1], $0xffff;
	[tilespmem:v2+s26+$0x0 ss:$0x1] =	vst.idx.msk $0xffff, v3;
	s26 =	smov.u32 s19  }
0x6d: {  	v3 =	vld.idx.msk [tilespmem:v0+s12+$0x0 ss:$0x1], $0xffff;
	[tilespmem:v2+s28+$0x0 ss:$0x1] =	vst.idx.msk $0xffff, v4;
	s28 =	smov.u32 s24  }
0x6e: {  	v4 =	vld.idx.msk [tilespmem:v18+s5+$0x0], $0xffff;
	[tilespmem:v2+s25+$0x0 ss:$0x1] =	vst.idx.msk $0xffff, v6;
	s25 =	smov.u32 s11  }
0x6f: {  	v6 =	vld.idx.msk [tilespmem:v1+s31+$0x0 ss:$0x1], $0xffff  }
0x70: {  	v8 =	vld.idx.msk [tilespmem:v0+s4+$0x0 ss:$0x1], $0xffff  }
0x71: {  	v9 =	vld.idx.msk [tilespmem:v0+s0+$0x0 ss:$0x1], $0xffff  }
0x72: {  	v11 =	vld.idx.msk [tilespmem:v0+s6+$0x0 ss:$0x1], $0xffff  }
0x73: {  	v13 =	vld.idx.msk [tilespmem:v0+s30+$0x0 ss:$0x1], $0xffff  }
0x74: {  	v16 =	vshll.u32 v4, $0x10;
	v15 =	vld.idx.msk [tilespmem:v0+s29+$0x0 ss:$0x1], $0xffff  }
0x75: {  	v6 =	vmul.f32 v16, v6;
	v18 =	vld.idx.msk [tilespmem:v0+s26+$0x0 ss:$0x1], $0xffff  }
0x76: {  	v4 =	vand.u32 $0xFFFF0000, v4;
	v21 =	vld.idx.msk [tilespmem:v0+s28+$0x0 ss:$0x1], $0xffff  }
0x77: {  	v4 =	vadd.f32 v4, v6;
	v16 =	vld.idx.msk [tilespmem:v17+s5+$0x0], $0xffff  }
0x78: {  	v6 =	vld.idx.msk [tilespmem:v14+s5+$0x0], $0xffff  }
0x79: {  	v12 =	vld.idx.msk [tilespmem:v12+s5+$0x0], $0xffff;
	[tilespmem:v2+s31+$0x0 ss:$0x1] =	vst.idx.msk $0xffff, v4  }
0x7a: {  	v4 =	vld.idx.msk [tilespmem:v10+s5+$0x0], $0xffff  }
0x7b: {  	v7 =	vld.idx.msk [tilespmem:v7+s5+$0x0], $0xffff  }
0x7c: {  	v5 =	vld.idx.msk [tilespmem:v5+s5+$0x0], $0xffff  }
0x7d: {  	v22 =	vand.u32 $0xFFFF0000, v16;
	v23 =	vshll.u32 v16, $0x10;
	v3 =	vld.idx.msk [tilespmem:v3+s5+$0x0], $0xffff  }
0x7e: {  	v25 =	vand.u32 $0xFFFF0000, v6;
	v24 =	vshll.u32 v6, $0x10;
	v6 =	vld.idx.msk [tilespmem:v8+s5+$0x0], $0xffff  }
0x7f: {  	v27 =	vand.u32 $0xFFFF0000, v12;
	v28 =	vshll.u32 v12, $0x10;
	v8 =	vld.idx.msk [tilespmem:v9+s5+$0x0], $0xffff  }
0x80: {  	v29 =	vand.u32 $0xFFFF0000, v4;
	v30 =	vshll.u32 v4, $0x10;
	v4 =	vld.idx.msk [tilespmem:v11+s5+$0x0], $0xffff  }
0x81: {  	v31 =	vand.u32 $0xFFFF0000, v7;
	v32 =	vshll.u32 v7, $0x10;
	v11 =	vld.idx.msk [tilespmem:v13+s5+$0x0], $0xffff  }
0x82: {  	v16 =	vand.u32 $0xFFFF0000, v5;
	v33 =	vshll.u32 v5, $0x10;
	v12 =	vld.idx.msk [tilespmem:v15+s5+$0x0], $0xffff  }
0x83: {  	v13 =	vand.u32 $0xFFFF0000, v3;
	v34 =	vshll.u32 v3, $0x10;
	v15 =	vld.idx.msk [tilespmem:v18+s5+$0x0], $0xffff  }
0x84: {  	v10 =	vand.u32 $0xFFFF0000, v6;
	v20 =	vshll.u32 v6, $0x10;
	v6 =	vld.idx.msk [tilespmem:v21+s5+$0x0], $0xffff  }
0x85: {  	v9 =	vand.u32 $0xFFFF0000, v8;
	v21 =	vld.idx.msk [tilespmem:v19+s5+$0x0], $0xffff;
	v19 =	vshll.u32 v8, $0x10  }
0x86: {  	v8 =	vand.u32 $0xFFFF0000, v4;
	v18 =	vshll.u32 v4, $0x10;
	v26 =	vld.idx.msk [tilespmem:v1+s14+$0x0 ss:$0x1], $0xffff  }
0x87: {  	v7 =	vand.u32 $0xFFFF0000, v11;
	v17 =	vshll.u32 v11, $0x10;
	v35 =	vld.idx.msk [tilespmem:v1+s3+$0x0 ss:$0x1], $0xffff  }
0x88: {  	v5 =	vand.u32 $0xFFFF0000, v12;
	v14 =	vshll.u32 v12, $0x10;
	v36 =	vld.idx.msk [tilespmem:v1+s7+$0x0 ss:$0x1], $0xffff  }
0x89: {  	v3 =	vand.u32 $0xFFFF0000, v15;
	v12 =	vshll.u32 v15, $0x10;
	v37 =	vld.idx.msk [tilespmem:v1+s10+$0x0 ss:$0x1], $0xffff  }
0x8a: {  	v4 =	vand.u32 $0xFFFF0000, v6;
	v11 =	vshll.u32 v6, $0x10;
	v38 =	vld.idx.msk [tilespmem:v1+s9+$0x0 ss:$0x1], $0xffff  }
0x8b: {  	v6 =	vand.u32 $0xFFFF0000, v21;
	v15 =	vshll.u32 v21, $0x10;
	v39 =	vld.idx.msk [tilespmem:v1+s8+$0x0 ss:$0x1], $0xffff  }
0x8c: {  	v21 =	vmul.f32 v23, v26;
	v23 =	vld.idx.msk [tilespmem:v1+s12+$0x0 ss:$0x1], $0xffff  }
0x8d: {  	v35 =	vmul.f32 v24, v35;
	v26 =	vld.idx.msk [tilespmem:v1+s4+$0x0 ss:$0x1], $0xffff  }
.Ltmp0:
0x8e: {  	v22 =	vadd.f32 v22, v21;
	v28 =	vmul.f32 v28, v36;
	v24 =	vld.idx.msk [tilespmem:v1+s0+$0x0 ss:$0x1], $0xffff;
	(pc) =	sbr.rel @p1 .LBB2_3-.Ltmp0, $4  }
0x8f: {  	v25 =	vadd.f32 v25, v35;
	v30 =	vmul.f32 v30, v37;
	v21 =	vld.idx.msk [tilespmem:v1+s6+$0x0 ss:$0x1], $0xffff  }
0x90: {  	v27 =	vadd.f32 v27, v28;
	v28 =	vmul.f32 v32, v38;
	[tilespmem:v2+s14+$0x0 ss:$0x1] =	vst.idx.msk $0xffff, v22;
	v22 =	vld.idx.msk [tilespmem:v1+s30+$0x0 ss:$0x1], $0xffff  }
0x91: {  	v29 =	vadd.f32 v29, v30;
	v30 =	vmul.f32 v33, v39;
	[tilespmem:v2+s3+$0x0 ss:$0x1] =	vst.idx.msk $0xffff, v25;
	v25 =	vld.idx.msk [tilespmem:v1+s29+$0x0 ss:$0x1], $0xffff  }
0x92: {  	s1 =	sadd.s32 $0x80, s1;
	s2 =	sadd.s32 $0x100, s2;
	[tilespmem:v2+s7+$0x0 ss:$0x1] =	vst.idx.msk $0xffff, v27;
	v27 =	vadd.f32 v31, v28;
	v28 =	vmul.f32 v34, v23;
	v23 =	vld.idx.msk [tilespmem:v1+s26+$0x0 ss:$0x1], $0xffff  }
0x93: {  	_ =	sdelay $0x3  }
0x94: {  	[tilespmem:v2+s10+$0x0 ss:$0x1] =	vst.idx.msk $0xffff, v29;
	v0 =	vadd.f32 v16, v30;
	v52 =	vmul.f32 v20, v26  }
0x95: {  	v53 =	vld.idx.msk [tilespmem:v1+s28+$0x0 ss:$0x1], $0xffff;
	v19 =	vmul.f32 v19, v24;
	[tilespmem:v2+s9+$0x0 ss:$0x1] =	vst.idx.msk $0xffff, v27;
	v13 =	vadd.f32 v13, v28  }
0x96: {  	v56 =	vmul.f32 v18, v21;
	[tilespmem:v2+s8+$0x0 ss:$0x1] =	vst.idx.msk $0xffff, v0;
	v55 =	vadd.f32 v10, v52  }
0x97: {  	v54 =	vld.idx.msk [tilespmem:v1+s25+$0x0 ss:$0x1], $0xffff;
	v9 =	vadd.f32 v9, v19;
	v57 =	vmul.f32 v17, v22;
	[tilespmem:v2+s12+$0x0 ss:$0x1] =	vst.idx.msk $0xffff, v13  }
0x98: {  	v58 =	vadd.f32 v8, v56;
	v59 =	vmul.f32 v14, v25;
	[tilespmem:v2+s4+$0x0 ss:$0x1] =	vst.idx.msk $0xffff, v55  }
0x99: {  	[tilespmem:v2+s0+$0x0 ss:$0x1] =	vst.idx.msk $0xffff, v9;
	v7 =	vadd.f32 v7, v57;
	v60 =	vmul.f32 v12, v23  }
0x9a: {  	[tilespmem:v2+s6+$0x0 ss:$0x1] =	vst.idx.msk $0xffff, v58;
	v61 =	vadd.f32 v5, v59;
	v62 =	vmul.f32 v11, v53  }
0x9b: {  	[tilespmem:v2+s30+$0x0 ss:$0x1] =	vst.idx.msk $0xffff, v7;
	v3 =	vadd.f32 v3, v60  }
0x9c: {  	v1 =	vmul.f32 v15, v54;
	[tilespmem:v2+s29+$0x0 ss:$0x1] =	vst.idx.msk $0xffff, v61;
	v63 =	vadd.f32 v4, v62  }
0x9d: {  	[tilespmem:v2+s26+$0x0 ss:$0x1] =	vst.idx.msk $0xffff, v3  }
0x9e: {  	v1 =	vadd.f32 v6, v1;
	[tilespmem:v2+s28+$0x0 ss:$0x1] =	vst.idx.msk $0xffff, v63  }
0x9f: {  	s0 =	rddreg [dreg:$0xf]  }
0xa0: {  	[tilespmem:v2+s25+$0x0 ss:$0x1] =	vst.idx.msk $0xffff, v1;
	p1 =	sne.s32 s0, s23  }
0xa1: {  	_ =	strace $0x90000056;
	p0 =	por p0, p1  }
0xa2: {  	s0 =	rddreg [dreg:$0x12];
	_ =	strace @p0 $0x80000057  }
0xa3: {  	s1 =	rddreg [dreg:$0x10]  }
0xa4: {  	s0 =	sshll.u32 @p0 s0, $0xB;
	s2 =	rddreg [dreg:$0x3]  }
0xa5: {  	s0 =	sand.u32 @p0 $0x1FFFF800, s0;
	s3 =	rddreg [dreg:$0x11]  }
0xa6: {  	s1 =	sadd.s32 @p0 $0x5, s1;
	s0 =	sadd.s32 @p0 s2, s0;
	s2 =	simm.s32 @p0 $0x0  }
0xa7: {  	[hbm4b:s0+s2] =	stream.linear.scatter @p0 [tilespmem:s3], [sflag:s1], $0x4000, $0x200038;
	[tilespmem:$0x18100] =	vst v63  }
0xa8: {  	_ =	strace @p0 $0x90000057  }
0xa9: {  	p1 =	seq.s32 s22, $0x0;
	s2 =	rddreg [dreg:$0xb]  }
0xaa: {  	s0 =	sand.u32 @!p1 $0x1, s2  }
0xab: {  	_ =	strace @!p1 $0x80000058;
	s0 =	sadd.s32 @!p1 $0x5, s0  }
0xac: {  	s1 =	simm.s32 $0x1;
	s7 =	rddreg [dreg:$0xd];
	_ =	swait.ge @!p1 [sflag:s0], $0x4000  }
0xad: {  	s1 =	simm.s32 @!p0 $0x0;
	p0 =	sne.s32 s22, $0x0;
	[sflag:s0] =	ssyncset.done @!p1 $0x0  }
0xae: {  	s22 =	sadd.s32 $0x1, s22;
	[sflag:s0] =	ssyncadd.s32 @!p1 $0xFFFFC000;
	s0 =	simm.s32 $0x1  }
0xaf: {  	s0 =	simm.s32 @!p0 $0x0;
	p0 =	sne.s32 s22, $0x20  }
.Ltmp1:
0xb0: {  	_ = 	snop;
	(pc) =	sbr.rel @p0 .LBB2_2-.Ltmp1, $4  }
0xb1: {  	_ = 	snop  }
0xb2: {  	s16 =	smov.u32 s23;
	s20 =	sadd.s32 s1, s20;
	s18 =	sadd.s32 s1, s18  }
0xb3: {  	s7 =	sadd.s32 s7, s13;
	s11 =	rddreg [dreg:$0xc];
	_ =	strace @!p1 $0x90000058  }
0xb4: {  	s11 =	sadd.s32 s1, s11;
	s2 =	sadd.s32 s0, s2;
	s15 =	rddreg [dreg:$0xe]  }
0xb5: {  	_ =	strace $0x80000059;
	s0 =	simm.s32 $0x6  }
0xb6: {  	_ =	swait.ge [sflag:s0], $0x4000  }
0xb7: {  	s1 =	rddreg [dreg:$0xa]  }
0xb8: {  	s31 =	rddreg [dreg:$0x9];
	s1 =	sadd.s32 $0x1, s1  }
0xb9: {  	p0 =	sne.s32 s1, s31  }
.Ltmp2:
0xba: {  	_ = 	snop;
	(pc) =	sbr.rel @p0 .LBB2_1-.Ltmp2, $4  }
0xbb: {  	_ = 	snop  }
0xbc: {  	[sflag:s0] =	ssyncset.done $0x0  }
0xbd: {  	[sflag:s0] =	ssyncadd.s32 $0xFFFFC000  }
0xbe: {  	_ =	strace $0x90000059  }
0xbf: {  	_ =	sfence.sel $0x180000  }
0xc0: {  	[bflag:$0x0] =	sbarrier.arrive $0xFFFF  }
0xc1: {  	_ =	strace $0x90000050  }
0xc2: {  	s0 =	stileid.u32;
	[bflag:$0x2] =	sbarrier.arrive $0xFFFF  }
0xc3: {  	p0 =	sne.s32 s0, $0x0;
	s0 =	rddreg [dreg:$0x4]  }
0xc4: {  	s0 =	sadd.s32 @!p0 $0x100000, s0  }
0xc5: {  	[sflag:s0] =	ssyncadd.tile.s32 @!p0 $0x1;
	_ =	shalt  }
.Lfunc_end2:
_tile_overlayer_lowered:
.L_overlay_start_2:
0xc6: {  	(tag) =	ssettag $0x2  }
0xc7: {  	s0 =	rddreg [dreg:$0x0];
	s2 =	stileid.u32  }
0xc8: {  	s1 =	rddreg [dreg:$0x1];
	p0 =	sne.s32 s2, $0x0  }
0xc9: {  	s3 =	rddreg [dreg:$0x2];
	[bflag:$0x3] =	sbarrier.arrive $0xFFFF;
	s2 =	simm.s32 @!p0 $0x1C01  }
0xca: {  	[timem:s3], [sflag:s2] =	dma.local @!p0 [hbm:s0], s1  }
0xcb: {  	s0 =	simm.s32 @!p0 $0x1  }
0xcc: {  	_ =	swait.ge @!p0 [sflag:s0], s1  }
0xcd: {  	s1 =	ssub.s32 @!p0 $0x0, s1;
	[sflag:s0] =	ssyncset.done @!p0 $0x0  }
0xce: {  	[sflag:s0] =	ssyncadd.s32 @!p0 s1  }
0xcf: {  	[bflag:$0x3] =	sbarrier.arrive $0xFFFF  }
0xd0: {  	_ =	shalt  }

</sc_bundles>
